<compile_context>
chip_gen: v7x
topology: tpu7x:2x2x1
jax: 0.10.2.dev20260603
libtpu: 0.0.44.dev20260713+nightly
codegen_flags: <defaults>
</compile_context>

<pallas_src>
import functools

import jax
import jax.numpy as jnp
from jax import lax
from jax.experimental import pallas as pl
from jax.experimental.pallas import tpu as pltpu
from jax.experimental.pallas import tpu_sc as plsc

S = 2048
D = 1024
F = 4096
E = 8
EP = 128

T = 256
NT = S // T
G = NT + E - 1
FK = 1024
K = F // FK

NC = 2
NS = 16
NW = NC * NS
CH = S // NW


def _router_body(h_ref, w_ref, b_ref, p_ref, prob_ref, cnt_ref):
    h = h_ref[...]
    logits = jnp.dot(h.astype(jnp.bfloat16), w_ref[...].astype(jnp.bfloat16),
                     preferred_element_type=jnp.float32)
    logits = logits + b_ref[...]
    m = jnp.max(logits, axis=1, keepdims=True)
    z = jnp.exp(logits - m)
    s = jnp.sum(z, axis=1, keepdims=True)
    prob_ref[...] = 1.0 / s[:, 0]

    lane = lax.broadcasted_iota(jnp.int32, (S, EP), 1)
    ind = jnp.min(jnp.where(logits == m, lane, EP), axis=1)
    onehot = (lane == ind[:, None]).astype(jnp.int32)

    c = onehot
    sh = 1
    while sh < S:
        c = c + jnp.concatenate(
            [jnp.zeros((sh, EP), jnp.int32), c[: S - sh]], axis=0)
        sh *= 2
    counts = c[S - 1 : S, :]

    r = lax.broadcasted_iota(jnp.int32, (EP, EP), 0)
    col = lax.broadcasted_iota(jnp.int32, (EP, EP), 1)
    lt = (r < col).astype(jnp.float32)
    off = jnp.dot(counts.astype(jnp.float32), lt,
                  preferred_element_type=jnp.float32,
                  precision=lax.Precision.HIGHEST)


    onef = onehot.astype(jnp.float32)
    rank = jnp.sum(onef * c.astype(jnp.float32), axis=1) - 1.0
    pos = jnp.sum(onef * off, axis=1) + rank
    p_ref[...] = pos.astype(jnp.int32)
    cnt_ref[...] = counts


def _router_call(h, wp, bp):
    return pl.pallas_call(
        _router_body,
        out_shape=(
            jax.ShapeDtypeStruct((S,), jnp.int32),
            jax.ShapeDtypeStruct((S,), jnp.float32),
            jax.ShapeDtypeStruct((1, EP), jnp.int32),
        ),
    )(h, wp, bp)


def _moe_body(tid_ref, eid_ref, lo_ref, hi_ref, first_ref,
              x_ref, w1v_ref, w1g_ref, w2_ref, prob_ref, out_ref):
    w = pl.program_id(0)
    k = pl.program_id(1)
    row0 = tid_ref[w] * T
    rows = row0 + lax.broadcasted_iota(jnp.int32, (T, 1), 0)
    msk = (rows >= lo_ref[w]) & (rows < hi_ref[w])
    x = jnp.where(msk, x_ref[...], 0.0).astype(jnp.bfloat16)
    v = jnp.dot(x, w1v_ref[0], preferred_element_type=jnp.float32)
    g = jnp.dot(x, w1g_ref[0], preferred_element_type=jnp.float32)
    a = ((v * jax.nn.sigmoid(v)) * g).astype(jnp.bfloat16)
    y = jnp.dot(a, w2_ref[0], preferred_element_type=jnp.float32)
    y = y * prob_ref[:, 0:1]

    init = jnp.logical_and(k == 0, first_ref[w] == 1)

    @pl.when(init)
    def _():
        out_ref[...] = y

    @pl.when(jnp.logical_not(init))
    def _():
        out_ref[...] = out_ref[...] + y


def _moe_call(tid, eid, lo, hi, first, h_sorted, w1, w2, prob_sorted):
    grid_spec = pltpu.PrefetchScalarGridSpec(
        num_scalar_prefetch=5,
        grid=(G, K),
        in_specs=[
            pl.BlockSpec((T, D), lambda w, k, tid, eid, lo, hi, first: (tid[w], 0)),
            pl.BlockSpec((1, D, FK), lambda w, k, tid, eid, lo, hi, first: (eid[w], 0, k)),
            pl.BlockSpec((1, D, FK), lambda w, k, tid, eid, lo, hi, first: (eid[w], 0, K + k)),
            pl.BlockSpec((1, FK, D), lambda w, k, tid, eid, lo, hi, first: (eid[w], k, 0)),
            pl.BlockSpec((T, EP), lambda w, k, tid, eid, lo, hi, first: (tid[w], 0)),
        ],
        out_specs=pl.BlockSpec((T, D), lambda w, k, tid, eid, lo, hi, first: (tid[w], 0)),
    )
    return pl.pallas_call(
        _moe_body,
        grid_spec=grid_spec,
        out_shape=jax.ShapeDtypeStruct((S, D), jnp.float32),
        compiler_params=pltpu.CompilerParams(
            dimension_semantics=("arbitrary", "arbitrary"),
            vmem_limit_bytes=100 * 1024 * 1024),
    )(tid, eid, lo, hi, first, h_sorted,
      w1.astype(jnp.bfloat16), w1.astype(jnp.bfloat16),
      w2.astype(jnp.bfloat16), prob_sorted)


@functools.cache
def _sc_kernels():
    mesh = plsc.VectorSubcoreMesh(core_axis_name="c", subcore_axis_name="s")

    @functools.partial(
        pl.kernel,
        mesh=mesh,
        out_type=(
            jax.ShapeDtypeStruct((S, D), jnp.float32),
            jax.ShapeDtypeStruct((S, EP), jnp.float32),
        ),
        scratch_types=[
            pltpu.VMEM((CH,), jnp.int32),
            pltpu.VMEM((CH, D), jnp.float32),
            pltpu.VMEM((CH, EP), jnp.float32),
            pltpu.SemaphoreType.DMA,
            pltpu.SemaphoreType.DMA,
        ],
    )
    def sc_scatter(h_hbm, probp_hbm, p_hbm, hs_hbm, ps_hbm,
                   idx_v, rows_v, prob_v, sem_a, sem_b):
        wid = lax.axis_index("s") * NC + lax.axis_index("c")
        base = wid * CH
        pltpu.sync_copy(p_hbm.at[pl.ds(base, CH)], idx_v)
        pltpu.sync_copy(h_hbm.at[pl.ds(base, CH)], rows_v)
        pltpu.sync_copy(probp_hbm.at[pl.ds(base, CH)], prob_v)
        cp_a = pltpu.async_copy(rows_v, hs_hbm.at[idx_v], sem_a)
        cp_b = pltpu.async_copy(prob_v, ps_hbm.at[idx_v], sem_b)
        cp_a.wait()
        cp_b.wait()

    @functools.partial(
        pl.kernel,
        mesh=mesh,
        out_type=jax.ShapeDtypeStruct((S, D), jnp.float32),
        scratch_types=[
            pltpu.VMEM((CH,), jnp.int32),
            pltpu.VMEM((CH, D), jnp.float32),
            pltpu.SemaphoreType.DMA,
        ],
    )
    def sc_gather(ys_hbm, p_hbm, out_hbm, idx_v, rows_v, sem):
        wid = lax.axis_index("s") * NC + lax.axis_index("c")
        base = wid * CH
        pltpu.sync_copy(p_hbm.at[pl.ds(base, CH)], idx_v)
        pltpu.async_copy(ys_hbm.at[idx_v], rows_v, sem).wait()
        pltpu.sync_copy(rows_v, out_hbm.at[pl.ds(base, CH)])

    return sc_scatter, sc_gather


def _sc_scatter_call(h, probp, p):
    return _sc_kernels()[0](h, probp, p)


def _sc_gather_call(ys, p):
    return _sc_kernels()[1](ys, p)


def _segments(counts):
    csum = jnp.cumsum(counts)
    off = jnp.concatenate([jnp.zeros((1,), jnp.int32), csum[:-1]])
    off_full = jnp.concatenate([off, jnp.array([S], jnp.int32)])
    cuts = jnp.sort(jnp.concatenate(
        [jnp.arange(1, NT, dtype=jnp.int32) * T, off[1:]]))
    starts = jnp.concatenate([jnp.zeros((1,), jnp.int32), cuts])
    ends = jnp.concatenate([cuts, jnp.array([S], jnp.int32)])
    tid = jnp.clip(starts // T, 0, NT - 1)
    eid = jnp.clip(
        jnp.searchsorted(off_full, starts, side="right").astype(jnp.int32) - 1,
        0, E - 1)
    first = jnp.concatenate(
        [jnp.ones((1,), jnp.int32), (tid[1:] != tid[:-1]).astype(jnp.int32)])
    return tid, eid, starts, ends, first


def kernel(hidden_states, router_W, router_b, W1, W2):
    h = hidden_states.reshape(S, D).astype(jnp.float32)
    wp = jnp.zeros((D, EP), jnp.float32).at[:, :E].set(router_W)
    bp = jnp.full((1, EP), -1e30, jnp.float32).at[0, :E].set(router_b)

    p, prob, cnt = _router_call(h, wp, bp)
    counts = cnt[0, :E].astype(jnp.int32)
    tid, eid, lo, hi, first = _segments(counts)

    probp = jnp.zeros((S, EP), jnp.float32).at[:, 0].set(prob)
    h_sorted, prob_sorted = _sc_scatter_call(h, probp, p)
    y_sorted = _moe_call(tid, eid, lo, hi, first, h_sorted, W1, W2, prob_sorted)
    y = _sc_gather_call(y_sorted, p)
    return y.reshape(hidden_states.shape)

# --- scband reference (transcript-rebuilt; emitter-appended) ---
"""Pipeline reference for scband-switch-mlp-58858231824517 (READ-ONLY COPY).

The authoritative reference and input builder live on the scoring server;
editing this copy changes nothing except your own understanding.
"""

import jax, jax.numpy as jnp
import numpy as np

DIM = 1024
FFN = 4 * DIM
E = 8
B, S = 1, 2048


def _silu(x):
    return x * jax.nn.sigmoid(x)


def setup_inputs(seed: int = 0) -> dict:
    key = jax.random.key(seed)
    k0, k1, k2, k3, k4 = jax.random.split(key, 5)
    hidden_states = jax.random.normal(k0, (B, S, DIM), dtype=jnp.float32)
    router_W = jax.random.normal(k1, (DIM, E), dtype=jnp.float32) / np.sqrt(DIM)
    router_b = jnp.zeros((E,), dtype=jnp.float32)
    # Gated-linear-unit expert MLPs, no bias: fc1: dim -> 2*ffn (value, gate), fc2: ffn -> dim
    W1 = jax.random.normal(k2, (E, DIM, 2 * FFN), dtype=jnp.float32) / np.sqrt(DIM)
    W2 = jax.random.normal(k3, (E, FFN, DIM), dtype=jnp.float32) / np.sqrt(FFN)
    return {"hidden_states": hidden_states, "router_W": router_W, "router_b": router_b, "W1": W1, "W2": W2}


def reference(hidden_states, router_W, router_b, W1, W2):
    hidden_shape = hidden_states.shape
    h = hidden_states.reshape(-1, hidden_shape[-1])
    # routing_mode == 'top1' -> softmax path
    route = h @ router_W + router_b
    route = jax.nn.softmax(route, axis=1)
    max_prob = jnp.max(route, axis=1, keepdims=True)
    max_ind = jnp.argmax(route, axis=1)
    output_total = jnp.zeros_like(h)
    for e in range(E):
        mask = (max_ind == e).astype(h.dtype)[:, None]
        y = h @ W1[e]
        val, gate = jnp.split(y, 2, axis=-1)
        y = _silu(val) * gate
        y = y @ W2[e]
        output_total = output_total + mask * y
    output_total = output_total * max_prob
    return output_total.reshape(hidden_shape)

if __name__ == "__main__":
    import jax
    _d = setup_inputs()
    print(jax.jit(kernel)(*tuple(_d.values())))

</pallas_src>

<mosaic_0001>
#map = affine_map<(d0, d1) -> (0, 0)>
#map1 = affine_map<(d0, d1) -> (0)>
module attributes {stable_mosaic.version = 14 : i64} {
  func.func @sc_scatter(%arg0: i32, %arg1: i32, %arg2: memref<2048x1024xf32, #tpu.memory_space<hbm>>, %arg3: memref<2048x128xf32, #tpu.memory_space<hbm>>, %arg4: memref<2048xi32, #tpu.memory_space<hbm>>, %arg5: memref<2048x1024xf32, #tpu.memory_space<hbm>>, %arg6: memref<2048x128xf32, #tpu.memory_space<hbm>>, %arg7: memref<64xi32, #tpu.memory_space<vmem>>, %arg8: memref<64x1024xf32, #tpu.memory_space<vmem>>, %arg9: memref<64x128xf32, #tpu.memory_space<vmem>>, %arg10: memref<!tpu.dma_semaphore, #tpu.memory_space<semaphore_mem>>, %arg11: memref<!tpu.dma_semaphore, #tpu.memory_space<semaphore_mem>>) attributes {dimension_semantics = [#tpu.dimension_semantics<core_parallel>, #tpu.dimension_semantics<subcore_parallel>], iteration_bounds = array<i64: 2, 16>, scalar_prefetch = 0 : i64, scratch_operands = 5 : i64, tpu.core_type = #tpu.core_type<sc_vector_subcore>, window_params = [{transform_indices = #map}, {transform_indices = #map}, {transform_indices = #map1}, {transform_indices = #map}, {transform_indices = #map}]} {
    %mul3A = arith.constant 2 : i32
    %mul3A_0 = arith.muli %arg1, %mul3A : i32
    %add3A = arith.addi %mul3A_0, %arg0 : i32
    %mul3A_1 = arith.constant 64 : i32
    %mul3A_2 = arith.muli %add3A, %mul3A_1 : i32
    "tpu.region"() ({
      %run_scoped3A = tpu.sem_alloc : memref<!tpu.dma_semaphore, #tpu.memory_space<semaphore_mem>>
      %dma_start3A_13 = tpu.memref_slice %arg4[%mul3A_2] : memref<2048xi32, #tpu.memory_space<hbm>> -> memref<64xi32, #tpu.memory_space<hbm>>
      %dma_start3A_14 = tpu.memref_slice %arg4[%mul3A_2] : memref<2048xi32, #tpu.memory_space<hbm>> -> memref<64xi32, #tpu.memory_space<hbm>>
      tpu.enqueue_dma source(%dma_start3A_14 : memref<64xi32, #tpu.memory_space<hbm>>) target(%arg7 : memref<64xi32, #tpu.memory_space<vmem>>) target_semaphore(%run_scoped3A : memref<!tpu.dma_semaphore, #tpu.memory_space<semaphore_mem>>)
      %dma_wait3A_15 = tpu.memref_slice %arg4[%mul3A_2] : memref<2048xi32, #tpu.memory_space<hbm>> -> memref<64xi32, #tpu.memory_space<hbm>>
      %dma_wait3A_16 = tpu.memref_slice %arg4[%mul3A_2] : memref<2048xi32, #tpu.memory_space<hbm>> -> memref<64xi32, #tpu.memory_space<hbm>>
      tpu.wait_dma2 semaphore(%run_scoped3A : memref<!tpu.dma_semaphore, #tpu.memory_space<semaphore_mem>>) src(%dma_wait3A_16 : memref<64xi32, #tpu.memory_space<hbm>>) dst(%arg7 : memref<64xi32, #tpu.memory_space<vmem>>)
      tpu.yield
    }) : () -> ()
    "tpu.region"() ({
      %run_scoped3A = tpu.sem_alloc : memref<!tpu.dma_semaphore, #tpu.memory_space<semaphore_mem>>
      %dma_start3A_13 = arith.constant 0 : i32
      %dma_start3A_14 = tpu.memref_slice %arg2[%mul3A_2, %dma_start3A_13] : memref<2048x1024xf32, #tpu.memory_space<hbm>> -> memref<64x1024xf32, #tpu.memory_space<hbm>>
      %dma_start3A_15 = arith.constant 0 : i32
      %dma_start3A_16 = tpu.memref_slice %arg2[%mul3A_2, %dma_start3A_15] : memref<2048x1024xf32, #tpu.memory_space<hbm>> -> memref<64x1024xf32, #tpu.memory_space<hbm>>
      tpu.enqueue_dma source(%dma_start3A_16 : memref<64x1024xf32, #tpu.memory_space<hbm>>) target(%arg8 : memref<64x1024xf32, #tpu.memory_space<vmem>>) target_semaphore(%run_scoped3A : memref<!tpu.dma_semaphore, #tpu.memory_space<semaphore_mem>>)
      %dma_wait3A_17 = arith.constant 0 : i32
      %dma_wait3A_18 = tpu.memref_slice %arg2[%mul3A_2, %dma_wait3A_17] : memref<2048x1024xf32, #tpu.memory_space<hbm>> -> memref<64x1024xf32, #tpu.memory_space<hbm>>
      %dma_wait3A_19 = arith.constant 0 : i32
      %dma_wait3A_20 = tpu.memref_slice %arg2[%mul3A_2, %dma_wait3A_19] : memref<2048x1024xf32, #tpu.memory_space<hbm>> -> memref<64x1024xf32, #tpu.memory_space<hbm>>
      tpu.wait_dma2 semaphore(%run_scoped3A : memref<!tpu.dma_semaphore, #tpu.memory_space<semaphore_mem>>) src(%dma_wait3A_20 : memref<64x1024xf32, #tpu.memory_space<hbm>>) dst(%arg8 : memref<64x1024xf32, #tpu.memory_space<vmem>>)
      tpu.yield
    }) : () -> ()
    "tpu.region"() ({
      %run_scoped3A = tpu.sem_alloc : memref<!tpu.dma_semaphore, #tpu.memory_space<semaphore_mem>>
      %dma_start3A_13 = arith.constant 0 : i32
      %dma_start3A_14 = tpu.memref_slice %arg3[%mul3A_2, %dma_start3A_13] : memref<2048x128xf32, #tpu.memory_space<hbm>> -> memref<64x128xf32, #tpu.memory_space<hbm>>
      %dma_start3A_15 = arith.constant 0 : i32
      %dma_start3A_16 = tpu.memref_slice %arg3[%mul3A_2, %dma_start3A_15] : memref<2048x128xf32, #tpu.memory_space<hbm>> -> memref<64x128xf32, #tpu.memory_space<hbm>>
      tpu.enqueue_dma source(%dma_start3A_16 : memref<64x128xf32, #tpu.memory_space<hbm>>) target(%arg9 : memref<64x128xf32, #tpu.memory_space<vmem>>) target_semaphore(%run_scoped3A : memref<!tpu.dma_semaphore, #tpu.memory_space<semaphore_mem>>)
      %dma_wait3A_17 = arith.constant 0 : i32
      %dma_wait3A_18 = tpu.memref_slice %arg3[%mul3A_2, %dma_wait3A_17] : memref<2048x128xf32, #tpu.memory_space<hbm>> -> memref<64x128xf32, #tpu.memory_space<hbm>>
      %dma_wait3A_19 = arith.constant 0 : i32
      %dma_wait3A_20 = tpu.memref_slice %arg3[%mul3A_2, %dma_wait3A_19] : memref<2048x128xf32, #tpu.memory_space<hbm>> -> memref<64x128xf32, #tpu.memory_space<hbm>>
      tpu.wait_dma2 semaphore(%run_scoped3A : memref<!tpu.dma_semaphore, #tpu.memory_space<semaphore_mem>>) src(%dma_wait3A_20 : memref<64x128xf32, #tpu.memory_space<hbm>>) dst(%arg9 : memref<64x128xf32, #tpu.memory_space<vmem>>)
      tpu.yield
    }) : () -> ()
    %dma_start3A = arith.constant 0 : i32
    %dma_start3A_3 = arith.constant 0 : i32
    %dma_start3A_4 = tpu.memref_slice %arg5[%dma_start3A, %dma_start3A_3] : memref<2048x1024xf32, #tpu.memory_space<hbm>> -> memref<2048x1024xf32, #tpu.memory_space<hbm>>
    tpu.enqueue_indirect_dma source(%arg8 : memref<64x1024xf32, #tpu.memory_space<vmem>>) target(%dma_start3A_4 : memref<2048x1024xf32, #tpu.memory_space<hbm>>) offsets(%arg7 : memref<64xi32, #tpu.memory_space<vmem>>) semaphore(%arg10 : memref<!tpu.dma_semaphore, #tpu.memory_space<semaphore_mem>>)
    %dma_start3A_5 = arith.constant 0 : i32
    %dma_start3A_6 = arith.constant 0 : i32
    %dma_start3A_7 = tpu.memref_slice %arg6[%dma_start3A_5, %dma_start3A_6] : memref<2048x128xf32, #tpu.memory_space<hbm>> -> memref<2048x128xf32, #tpu.memory_space<hbm>>
    tpu.enqueue_indirect_dma source(%arg9 : memref<64x128xf32, #tpu.memory_space<vmem>>) target(%dma_start3A_7 : memref<2048x128xf32, #tpu.memory_space<hbm>>) offsets(%arg7 : memref<64xi32, #tpu.memory_space<vmem>>) semaphore(%arg11 : memref<!tpu.dma_semaphore, #tpu.memory_space<semaphore_mem>>)
    %dma_wait3A = arith.constant 0 : i32
    %dma_wait3A_8 = arith.constant 0 : i32
    %dma_wait3A_9 = tpu.memref_slice %arg5[%dma_wait3A, %dma_wait3A_8] : memref<2048x1024xf32, #tpu.memory_space<hbm>> -> memref<2048x1024xf32, #tpu.memory_space<hbm>>
    tpu.wait_indirect_dma semaphore(%arg10 : memref<!tpu.dma_semaphore, #tpu.memory_space<semaphore_mem>>) src(%arg8 : memref<64x1024xf32, #tpu.memory_space<vmem>>) dst(%dma_wait3A_9 : memref<2048x1024xf32, #tpu.memory_space<hbm>>)
    %dma_wait3A_10 = arith.constant 0 : i32
    %dma_wait3A_11 = arith.constant 0 : i32
    %dma_wait3A_12 = tpu.memref_slice %arg6[%dma_wait3A_10, %dma_wait3A_11] : memref<2048x128xf32, #tpu.memory_space<hbm>> -> memref<2048x128xf32, #tpu.memory_space<hbm>>
    tpu.wait_indirect_dma semaphore(%arg11 : memref<!tpu.dma_semaphore, #tpu.memory_space<semaphore_mem>>) src(%arg9 : memref<64x128xf32, #tpu.memory_space<vmem>>) dst(%dma_wait3A_12 : memref<2048x128xf32, #tpu.memory_space<hbm>>)
    return
  }
}

#map = affine_map<(d0, d1) -> (0, 0)>
#map1 = affine_map<(d0, d1) -> (0)>
module attributes {stable_mosaic.version = 14 : i64} {
  func.func @sc_gather(%arg0: i32, %arg1: i32, %arg2: memref<2048x1024xf32, #tpu.memory_space<hbm>>, %arg3: memref<2048xi32, #tpu.memory_space<hbm>>, %arg4: memref<2048x1024xf32, #tpu.memory_space<hbm>>, %arg5: memref<64xi32, #tpu.memory_space<vmem>>, %arg6: memref<64x1024xf32, #tpu.memory_space<vmem>>, %arg7: memref<!tpu.dma_semaphore, #tpu.memory_space<semaphore_mem>>) attributes {dimension_semantics = [#tpu.dimension_semantics<core_parallel>, #tpu.dimension_semantics<subcore_parallel>], iteration_bounds = array<i64: 2, 16>, scalar_prefetch = 0 : i64, scratch_operands = 3 : i64, tpu.core_type = #tpu.core_type<sc_vector_subcore>, window_params = [{transform_indices = #map}, {transform_indices = #map1}, {transform_indices = #map}]} {
    %mul3A = arith.constant 2 : i32
    %mul3A_0 = arith.muli %arg1, %mul3A : i32
    %add3A = arith.addi %mul3A_0, %arg0 : i32
    %mul3A_1 = arith.constant 64 : i32
    %mul3A_2 = arith.muli %add3A, %mul3A_1 : i32
    "tpu.region"() ({
      %run_scoped3A = tpu.sem_alloc : memref<!tpu.dma_semaphore, #tpu.memory_space<semaphore_mem>>
      %dma_start3A_7 = tpu.memref_slice %arg3[%mul3A_2] : memref<2048xi32, #tpu.memory_space<hbm>> -> memref<64xi32, #tpu.memory_space<hbm>>
      %dma_start3A_8 = tpu.memref_slice %arg3[%mul3A_2] : memref<2048xi32, #tpu.memory_space<hbm>> -> memref<64xi32, #tpu.memory_space<hbm>>
      tpu.enqueue_dma source(%dma_start3A_8 : memref<64xi32, #tpu.memory_space<hbm>>) target(%arg5 : memref<64xi32, #tpu.memory_space<vmem>>) target_semaphore(%run_scoped3A : memref<!tpu.dma_semaphore, #tpu.memory_space<semaphore_mem>>)
      %dma_wait3A_9 = tpu.memref_slice %arg3[%mul3A_2] : memref<2048xi32, #tpu.memory_space<hbm>> -> memref<64xi32, #tpu.memory_space<hbm>>
      %dma_wait3A_10 = tpu.memref_slice %arg3[%mul3A_2] : memref<2048xi32, #tpu.memory_space<hbm>> -> memref<64xi32, #tpu.memory_space<hbm>>
      tpu.wait_dma2 semaphore(%run_scoped3A : memref<!tpu.dma_semaphore, #tpu.memory_space<semaphore_mem>>) src(%dma_wait3A_10 : memref<64xi32, #tpu.memory_space<hbm>>) dst(%arg5 : memref<64xi32, #tpu.memory_space<vmem>>)
      tpu.yield
    }) : () -> ()
    %dma_start3A = arith.constant 0 : i32
    %dma_start3A_3 = arith.constant 0 : i32
    %dma_start3A_4 = tpu.memref_slice %arg2[%dma_start3A, %dma_start3A_3] : memref<2048x1024xf32, #tpu.memory_space<hbm>> -> memref<2048x1024xf32, #tpu.memory_space<hbm>>
    tpu.enqueue_indirect_dma source(%dma_start3A_4 : memref<2048x1024xf32, #tpu.memory_space<hbm>>) target(%arg6 : memref<64x1024xf32, #tpu.memory_space<vmem>>) offsets(%arg5 : memref<64xi32, #tpu.memory_space<vmem>>) semaphore(%arg7 : memref<!tpu.dma_semaphore, #tpu.memory_space<semaphore_mem>>)
    %dma_wait3A = arith.constant 0 : i32
    %dma_wait3A_5 = arith.constant 0 : i32
    %dma_wait3A_6 = tpu.memref_slice %arg2[%dma_wait3A, %dma_wait3A_5] : memref<2048x1024xf32, #tpu.memory_space<hbm>> -> memref<2048x1024xf32, #tpu.memory_space<hbm>>
    tpu.wait_indirect_dma semaphore(%arg7 : memref<!tpu.dma_semaphore, #tpu.memory_space<semaphore_mem>>) src(%dma_wait3A_6 : memref<2048x1024xf32, #tpu.memory_space<hbm>>) dst(%arg6 : memref<64x1024xf32, #tpu.memory_space<vmem>>)
    "tpu.region"() ({
      %run_scoped3A = tpu.sem_alloc : memref<!tpu.dma_semaphore, #tpu.memory_space<semaphore_mem>>
      %dma_start3A_7 = arith.constant 0 : i32
      %dma_start3A_8 = tpu.memref_slice %arg4[%mul3A_2, %dma_start3A_7] : memref<2048x1024xf32, #tpu.memory_space<hbm>> -> memref<64x1024xf32, #tpu.memory_space<hbm>>
      %dma_start3A_9 = arith.constant 0 : i32
      %dma_start3A_10 = tpu.memref_slice %arg4[%mul3A_2, %dma_start3A_9] : memref<2048x1024xf32, #tpu.memory_space<hbm>> -> memref<64x1024xf32, #tpu.memory_space<hbm>>
      tpu.enqueue_dma source(%arg6 : memref<64x1024xf32, #tpu.memory_space<vmem>>) target(%dma_start3A_10 : memref<64x1024xf32, #tpu.memory_space<hbm>>) target_semaphore(%run_scoped3A : memref<!tpu.dma_semaphore, #tpu.memory_space<semaphore_mem>>)
      %dma_wait3A_11 = arith.constant 0 : i32
      %dma_wait3A_12 = tpu.memref_slice %arg4[%mul3A_2, %dma_wait3A_11] : memref<2048x1024xf32, #tpu.memory_space<hbm>> -> memref<64x1024xf32, #tpu.memory_space<hbm>>
      %dma_wait3A_13 = arith.constant 0 : i32
      %dma_wait3A_14 = tpu.memref_slice %arg4[%mul3A_2, %dma_wait3A_13] : memref<2048x1024xf32, #tpu.memory_space<hbm>> -> memref<64x1024xf32, #tpu.memory_space<hbm>>
      tpu.wait_dma2 semaphore(%run_scoped3A : memref<!tpu.dma_semaphore, #tpu.memory_space<semaphore_mem>>) src(%arg6 : memref<64x1024xf32, #tpu.memory_space<vmem>>) dst(%dma_wait3A_14 : memref<64x1024xf32, #tpu.memory_space<hbm>>)
      tpu.yield
    }) : () -> ()
    return
  }
}

module attributes {stable_mosaic.version = 14 : i64} {
  func.func @_router_body(%arg0: memref<2048x1024xf32, #tpu.memory_space<vmem>>, %arg1: memref<1024x128xf32, #tpu.memory_space<vmem>>, %arg2: memref<1x128xf32, #tpu.memory_space<vmem>>, %arg3: memref<2048xi32, #tpu.memory_space<vmem>>, %arg4: memref<2048xf32, #tpu.memory_space<vmem>>, %arg5: memref<1x128xi32, #tpu.memory_space<vmem>>) attributes {dimension_semantics = [], scalar_prefetch = 0 : i64, scratch_operands = 0 : i64, tpu.core_type = #tpu.core_type<tc>} {
    %get3A = arith.constant 0 : index
    %get3A_0 = arith.constant 0 : index
    %get3A_1 = vector.load %arg0[%get3A, %get3A_0] : memref<2048x1024xf32, #tpu.memory_space<vmem>>, vector<2048x1024xf32>
    %convert_element_type3A = arith.truncf %get3A_1 : vector<2048x1024xf32> to vector<2048x1024xbf16>
    %get3A_2 = arith.constant 0 : index
    %get3A_3 = arith.constant 0 : index
    %get3A_4 = vector.load %arg1[%get3A_2, %get3A_3] : memref<1024x128xf32, #tpu.memory_space<vmem>>, vector<1024x128xf32>
    %convert_element_type3A_5 = arith.truncf %get3A_4 : vector<1024x128xf32> to vector<1024x128xbf16>
    %dot_general3A = arith.constant dense<0.000000e+00> : vector<2048x128xf32>
    %dot_general3A_6 = tpu.matmul %convert_element_type3A, %convert_element_type3A_5, %dot_general3A {dimension_numbers = #tpu.dot_dimension_numbers<[1], [0], [0], [1], [0, 0, 1, 1], [], []>, transpose_lhs_hint = false} : vector<2048x1024xbf16>, vector<1024x128xbf16>, vector<2048x128xf32> -> vector<2048x128xf32>
    %get3A_7 = arith.constant 0 : index
    %get3A_8 = arith.constant 0 : index
    %get3A_9 = vector.load %arg2[%get3A_7, %get3A_8] : memref<1x128xf32, #tpu.memory_space<vmem>>, vector<1x128xf32>
    %add3A = vector.broadcast %get3A_9 : vector<1x128xf32> to vector<2048x128xf32>
    %add3A_10 = arith.addf %dot_general3A_6, %add3A : vector<2048x128xf32>
    %reduce_max3A = arith.constant dense<0xFF800000> : vector<2048xf32>
    %reduce_max3A_11 = vector.multi_reduction <maximumf>, %add3A_10, %reduce_max3A [1] : vector<2048x128xf32> to vector<2048xf32>
    %broadcast_in_dim3A = vector.shape_cast %reduce_max3A_11 : vector<2048xf32> to vector<2048x1xf32>
    %sub3A = vector.broadcast %broadcast_in_dim3A : vector<2048x1xf32> to vector<2048x128xf32>
    %sub3A_12 = arith.subf %add3A_10, %sub3A : vector<2048x128xf32>
    %exp3A = math.exp %sub3A_12 : vector<2048x128xf32>
    %reduce_sum3A = arith.constant dense<0.000000e+00> : vector<2048xf32>
    %reduce_sum3A_13 = vector.multi_reduction <add>, %exp3A, %reduce_sum3A [1] : vector<2048x128xf32> to vector<2048xf32>
    %broadcast_in_dim3A_14 = vector.shape_cast %reduce_sum3A_13 : vector<2048xf32> to vector<2048x1xf32>
    %squeeze3A = vector.shape_cast %broadcast_in_dim3A_14 : vector<2048x1xf32> to vector<2048xf32>
    %div3A = arith.constant 1.000000e+00 : f32
    %div3A_15 = vector.broadcast %div3A : f32 to vector<2048xf32>
    %div3A_16 = arith.divf %div3A_15, %squeeze3A : vector<2048xf32>
    %swap3A = arith.constant 0 : index
    %swap3A_17 = vector.load %arg4[%swap3A] : memref<2048xf32, #tpu.memory_space<vmem>>, vector<2048xf32>
    tpu.vector_store %arg4[%swap3A], %div3A_16 {strides = array<i32>} : memref<2048xf32, #tpu.memory_space<vmem>>, vector<2048xf32>,
    %iota3A = tpu.iota {dimensions = array<i32: 1>} : vector<2048x128xi32>
    %eq3A = vector.broadcast %broadcast_in_dim3A : vector<2048x1xf32> to vector<2048x128xf32>
    %eq3A_18 = arith.cmpf oeq, %add3A_10, %eq3A : vector<2048x128xf32>
    %jit3A = arith.constant 128 : i32
    %broadcast_in_dim3A_19 = vector.broadcast %jit3A : i32 to vector<2048x128xi32>
    %select_n3A = arith.select %eq3A_18, %iota3A, %broadcast_in_dim3A_19 : vector<2048x128xi1>, vector<2048x128xi32>
    %reduce_min3A = arith.constant dense<2147483647> : vector<2048xi32>
    %reduce_min3A_20 = vector.multi_reduction <minsi>, %select_n3A, %reduce_min3A [1] : vector<2048x128xi32> to vector<2048xi32>
    %broadcast_in_dim3A_21 = vector.shape_cast %reduce_min3A_20 : vector<2048xi32> to vector<2048x1xi32>
    %eq3A_22 = vector.broadcast %broadcast_in_dim3A_21 : vector<2048x1xi32> to vector<2048x128xi32>
    %eq3A_23 = arith.cmpi eq, %iota3A, %eq3A_22 : vector<2048x128xi32>
    %convert_element_type3A_24 = arith.extui %eq3A_23 : vector<2048x128xi1> to vector<2048x128xi32>
    %broadcast_in_dim3A_25 = arith.constant 0 : i32
    %broadcast_in_dim3A_26 = vector.broadcast %broadcast_in_dim3A_25 : i32 to vector<1x128xi32>
    %slice3A = vector.extract_strided_slice %convert_element_type3A_24 {offsets = [0, 0], sizes = [2047, 128], strides = [1, 1]} : vector<2048x128xi32> to vector<2047x128xi32>
    %concatenate3A = tpu.concatenate %broadcast_in_dim3A_26, %slice3A in 0 : vector<1x128xi32>, vector<2047x128xi32> -> vector<2048x128xi32>
    %add3A_27 = arith.addi %convert_element_type3A_24, %concatenate3A : vector<2048x128xi32>
    %broadcast_in_dim3A_28 = arith.constant 0 : i32
    %broadcast_in_dim3A_29 = vector.broadcast %broadcast_in_dim3A_28 : i32 to vector<2x128xi32>
    %slice3A_30 = vector.extract_strided_slice %add3A_27 {offsets = [0, 0], sizes = [2046, 128], strides = [1, 1]} : vector<2048x128xi32> to vector<2046x128xi32>
    %concatenate3A_31 = tpu.concatenate %broadcast_in_dim3A_29, %slice3A_30 in 0 : vector<2x128xi32>, vector<2046x128xi32> -> vector<2048x128xi32>
    %add3A_32 = arith.addi %add3A_27, %concatenate3A_31 : vector<2048x128xi32>
    %broadcast_in_dim3A_33 = arith.constant 0 : i32
    %broadcast_in_dim3A_34 = vector.broadcast %broadcast_in_dim3A_33 : i32 to vector<4x128xi32>
    %slice3A_35 = vector.extract_strided_slice %add3A_32 {offsets = [0, 0], sizes = [2044, 128], strides = [1, 1]} : vector<2048x128xi32> to vector<2044x128xi32>
    %concatenate3A_36 = tpu.concatenate %broadcast_in_dim3A_34, %slice3A_35 in 0 : vector<4x128xi32>, vector<2044x128xi32> -> vector<2048x128xi32>
    %add3A_37 = arith.addi %add3A_32, %concatenate3A_36 : vector<2048x128xi32>
    %broadcast_in_dim3A_38 = arith.constant 0 : i32
    %broadcast_in_dim3A_39 = vector.broadcast %broadcast_in_dim3A_38 : i32 to vector<8x128xi32>
    %slice3A_40 = vector.extract_strided_slice %add3A_37 {offsets = [0, 0], sizes = [2040, 128], strides = [1, 1]} : vector<2048x128xi32> to vector<2040x128xi32>
    %concatenate3A_41 = tpu.concatenate %broadcast_in_dim3A_39, %slice3A_40 in 0 : vector<8x128xi32>, vector<2040x128xi32> -> vector<2048x128xi32>
    %add3A_42 = arith.addi %add3A_37, %concatenate3A_41 : vector<2048x128xi32>
    %broadcast_in_dim3A_43 = arith.constant 0 : i32
    %broadcast_in_dim3A_44 = vector.broadcast %broadcast_in_dim3A_43 : i32 to vector<16x128xi32>
    %slice3A_45 = vector.extract_strided_slice %add3A_42 {offsets = [0, 0], sizes = [2032, 128], strides = [1, 1]} : vector<2048x128xi32> to vector<2032x128xi32>
    %concatenate3A_46 = tpu.concatenate %broadcast_in_dim3A_44, %slice3A_45 in 0 : vector<16x128xi32>, vector<2032x128xi32> -> vector<2048x128xi32>
    %add3A_47 = arith.addi %add3A_42, %concatenate3A_46 : vector<2048x128xi32>
    %broadcast_in_dim3A_48 = arith.constant 0 : i32
    %broadcast_in_dim3A_49 = vector.broadcast %broadcast_in_dim3A_48 : i32 to vector<32x128xi32>
    %slice3A_50 = vector.extract_strided_slice %add3A_47 {offsets = [0, 0], sizes = [2016, 128], strides = [1, 1]} : vector<2048x128xi32> to vector<2016x128xi32>
    %concatenate3A_51 = tpu.concatenate %broadcast_in_dim3A_49, %slice3A_50 in 0 : vector<32x128xi32>, vector<2016x128xi32> -> vector<2048x128xi32>
    %add3A_52 = arith.addi %add3A_47, %concatenate3A_51 : vector<2048x128xi32>
    %broadcast_in_dim3A_53 = arith.constant 0 : i32
    %broadcast_in_dim3A_54 = vector.broadcast %broadcast_in_dim3A_53 : i32 to vector<64x128xi32>
    %slice3A_55 = vector.extract_strided_slice %add3A_52 {offsets = [0, 0], sizes = [1984, 128], strides = [1, 1]} : vector<2048x128xi32> to vector<1984x128xi32>
    %concatenate3A_56 = tpu.concatenate %broadcast_in_dim3A_54, %slice3A_55 in 0 : vector<64x128xi32>, vector<1984x128xi32> -> vector<2048x128xi32>
    %add3A_57 = arith.addi %add3A_52, %concatenate3A_56 : vector<2048x128xi32>
    %broadcast_in_dim3A_58 = arith.constant 0 : i32
    %broadcast_in_dim3A_59 = vector.broadcast %broadcast_in_dim3A_58 : i32 to vector<128x128xi32>
    %slice3A_60 = vector.extract_strided_slice %add3A_57 {offsets = [0, 0], sizes = [1920, 128], strides = [1, 1]} : vector<2048x128xi32> to vector<1920x128xi32>
    %concatenate3A_61 = tpu.concatenate %broadcast_in_dim3A_59, %slice3A_60 in 0 : vector<128x128xi32>, vector<1920x128xi32> -> vector<2048x128xi32>
    %add3A_62 = arith.addi %add3A_57, %concatenate3A_61 : vector<2048x128xi32>
    %broadcast_in_dim3A_63 = arith.constant 0 : i32
    %broadcast_in_dim3A_64 = vector.broadcast %broadcast_in_dim3A_63 : i32 to vector<256x128xi32>
    %slice3A_65 = vector.extract_strided_slice %add3A_62 {offsets = [0, 0], sizes = [1792, 128], strides = [1, 1]} : vector<2048x128xi32> to vector<1792x128xi32>
    %concatenate3A_66 = tpu.concatenate %broadcast_in_dim3A_64, %slice3A_65 in 0 : vector<256x128xi32>, vector<1792x128xi32> -> vector<2048x128xi32>
    %add3A_67 = arith.addi %add3A_62, %concatenate3A_66 : vector<2048x128xi32>
    %broadcast_in_dim3A_68 = arith.constant 0 : i32
    %broadcast_in_dim3A_69 = vector.broadcast %broadcast_in_dim3A_68 : i32 to vector<512x128xi32>
    %slice3A_70 = vector.extract_strided_slice %add3A_67 {offsets = [0, 0], sizes = [1536, 128], strides = [1, 1]} : vector<2048x128xi32> to vector<1536x128xi32>
    %concatenate3A_71 = tpu.concatenate %broadcast_in_dim3A_69, %slice3A_70 in 0 : vector<512x128xi32>, vector<1536x128xi32> -> vector<2048x128xi32>
    %add3A_72 = arith.addi %add3A_67, %concatenate3A_71 : vector<2048x128xi32>
    %broadcast_in_dim3A_73 = arith.constant 0 : i32
    %broadcast_in_dim3A_74 = vector.broadcast %broadcast_in_dim3A_73 : i32 to vector<1024x128xi32>
    %slice3A_75 = vector.extract_strided_slice %add3A_72 {offsets = [0, 0], sizes = [1024, 128], strides = [1, 1]} : vector<2048x128xi32> to vector<1024x128xi32>
    %concatenate3A_76 = tpu.concatenate %broadcast_in_dim3A_74, %slice3A_75 in 0 : vector<1024x128xi32>, vector<1024x128xi32> -> vector<2048x128xi32>
    %add3A_77 = arith.addi %add3A_72, %concatenate3A_76 : vector<2048x128xi32>
    %slice3A_78 = vector.extract_strided_slice %add3A_77 {offsets = [2047, 0], sizes = [1, 128], strides = [1, 1]} : vector<2048x128xi32> to vector<1x128xi32>
    %iota3A_79 = tpu.iota {dimensions = array<i32: 0>} : vector<128x128xi32>
    %iota3A_80 = tpu.iota {dimensions = array<i32: 1>} : vector<128x128xi32>
    %lt3A = arith.cmpi slt, %iota3A_79, %iota3A_80 : vector<128x128xi32>
    %convert_element_type3A_81 = arith.extui %lt3A : vector<128x128xi1> to vector<128x128xi32>
    %convert_element_type3A_82 = arith.sitofp %convert_element_type3A_81 : vector<128x128xi32> to vector<128x128xf32>
    %convert_element_type3A_83 = arith.sitofp %slice3A_78 : vector<1x128xi32> to vector<1x128xf32>
    %dot_general3A_84 = arith.constant dense<0.000000e+00> : vector<1x128xf32>
    %dot_general3A_85 = tpu.matmul %convert_element_type3A_83, %convert_element_type3A_82, %dot_general3A_84 {dimension_numbers = #tpu.dot_dimension_numbers<[1], [0], [0], [1], [0, 0, 1, 1], [], []>, precision = #tpu.contract_precision<fp32>, transpose_lhs_hint = false} : vector<1x128xf32>, vector<128x128xf32>, vector<1x128xf32> -> vector<1x128xf32>
    %convert_element_type3A_86 = arith.sitofp %convert_element_type3A_24 : vector<2048x128xi32> to vector<2048x128xf32>
    %convert_element_type3A_87 = arith.sitofp %add3A_77 : vector<2048x128xi32> to vector<2048x128xf32>
    %mul3A = arith.mulf %convert_element_type3A_86, %convert_element_type3A_87 : vector<2048x128xf32>
    %reduce_sum3A_88 = arith.constant dense<0.000000e+00> : vector<2048xf32>
    %reduce_sum3A_89 = vector.multi_reduction <add>, %mul3A, %reduce_sum3A_88 [1] : vector<2048x128xf32> to vector<2048xf32>
    %sub3A_90 = arith.constant 1.000000e+00 : f32
    %sub3A_91 = vector.broadcast %sub3A_90 : f32 to vector<2048xf32>
    %sub3A_92 = arith.subf %reduce_sum3A_89, %sub3A_91 : vector<2048xf32>
    %mul3A_93 = vector.broadcast %dot_general3A_85 : vector<1x128xf32> to vector<2048x128xf32>
    %mul3A_94 = arith.mulf %convert_element_type3A_86, %mul3A_93 : vector<2048x128xf32>
    %reduce_sum3A_95 = arith.constant dense<0.000000e+00> : vector<2048xf32>
    %reduce_sum3A_96 = vector.multi_reduction <add>, %mul3A_94, %reduce_sum3A_95 [1] : vector<2048x128xf32> to vector<2048xf32>
    %add3A_97 = arith.addf %reduce_sum3A_96, %sub3A_92 : vector<2048xf32>
    %convert_element_type3A_98 = arith.fptosi %add3A_97 : vector<2048xf32> to vector<2048xi32>
    %swap3A_99 = arith.constant 0 : index
    %swap3A_100 = vector.load %arg3[%swap3A_99] : memref<2048xi32, #tpu.memory_space<vmem>>, vector<2048xi32>
    tpu.vector_store %arg3[%swap3A_99], %convert_element_type3A_98 {strides = array<i32>} : memref<2048xi32, #tpu.memory_space<vmem>>, vector<2048xi32>,
    %swap3A_101 = arith.constant 0 : index
    %swap3A_102 = arith.constant 0 : index
    %swap3A_103 = vector.load %arg5[%swap3A_101, %swap3A_102] : memref<1x128xi32, #tpu.memory_space<vmem>>, vector<1x128xi32>
    tpu.vector_store %arg5[%swap3A_101, %swap3A_102], %slice3A_78 {strides = array<i32>} : memref<1x128xi32, #tpu.memory_space<vmem>>, vector<1x128xi32>,
    return
  }
}

module attributes {stable_mosaic.version = 14 : i64} {
  func.func @_moe_body(%arg0: i32, %arg1: i32, %arg2: memref<15xi32, #tpu.memory_space<smem>>, %arg3: memref<15xi32, #tpu.memory_space<smem>>, %arg4: memref<15xi32, #tpu.memory_space<smem>>, %arg5: memref<15xi32, #tpu.memory_space<smem>>, %arg6: memref<15xi32, #tpu.memory_space<smem>>, %arg7: memref<256x1024xf32, #tpu.memory_space<vmem>>, %arg8: memref<1x1024x1024xbf16, #tpu.memory_space<vmem>>, %arg9: memref<1x1024x1024xbf16, #tpu.memory_space<vmem>>, %arg10: memref<1x1024x1024xbf16, #tpu.memory_space<vmem>>, %arg11: memref<256x128xf32, #tpu.memory_space<vmem>>, %arg12: memref<256x1024xf32, #tpu.memory_space<vmem>>) attributes {dimension_semantics = [#tpu.dimension_semantics<arbitrary>, #tpu.dimension_semantics<arbitrary>], iteration_bounds = array<i64: 15, 4>, scalar_prefetch = 5 : i64, scratch_operands = 0 : i64, tpu.core_type = #tpu.core_type<tc>, window_params = [{transform_indices = @transform_0, window_bounds = array<i64: 256, 1024>}, {transform_indices = @transform_1, window_bounds = array<i64: 1, 1024, 1024>}, {transform_indices = @transform_2, window_bounds = array<i64: 1, 1024, 1024>}, {transform_indices = @transform_3, window_bounds = array<i64: 1, 1024, 1024>}, {transform_indices = @transform_4, window_bounds = array<i64: 256, 128>}, {transform_indices = @transform_5, window_bounds = array<i64: 256, 1024>}]} {
    %get3A = arith.index_cast %arg0 : i32 to index
    %get3A_0 = memref.load %arg2[%get3A] : memref<15xi32, #tpu.memory_space<smem>>
    %mul3A = arith.constant 256 : i32
    %mul3A_1 = arith.muli %get3A_0, %mul3A : i32
    %iota3A = tpu.iota {dimensions = array<i32: 0>} : vector<256x1xi32>
    %add3A = vector.broadcast %mul3A_1 : i32 to vector<256x1xi32>
    %add3A_2 = arith.addi %add3A, %iota3A : vector<256x1xi32>
    %get3A_3 = arith.index_cast %arg0 : i32 to index
    %get3A_4 = memref.load %arg4[%get3A_3] : memref<15xi32, #tpu.memory_space<smem>>
    %ge3A = vector.broadcast %get3A_4 : i32 to vector<256x1xi32>
    %ge3A_5 = arith.cmpi sge, %add3A_2, %ge3A : vector<256x1xi32>
    %get3A_6 = arith.index_cast %arg0 : i32 to index
    %get3A_7 = memref.load %arg5[%get3A_6] : memref<15xi32, #tpu.memory_space<smem>>
    %lt3A = vector.broadcast %get3A_7 : i32 to vector<256x1xi32>
    %lt3A_8 = arith.cmpi slt, %add3A_2, %lt3A : vector<256x1xi32>
    %and3A = arith.andi %ge3A_5, %lt3A_8 : vector<256x1xi1>
    %get3A_9 = arith.constant 0 : index
    %get3A_10 = arith.constant 0 : index
    %get3A_11 = vector.load %arg7[%get3A_9, %get3A_10] : memref<256x1024xf32, #tpu.memory_space<vmem>>, vector<256x1024xf32>
    %jit3A = arith.constant 0.000000e+00 : f32
    %broadcast_in_dim3A = vector.shape_cast %and3A : vector<256x1xi1> to vector<256x1xi1>
    %broadcast_in_dim3A_12 = vector.broadcast %broadcast_in_dim3A : vector<256x1xi1> to vector<256x1024xi1>
    %broadcast_in_dim3A_13 = vector.broadcast %jit3A : f32 to vector<256x1024xf32>
    %select_n3A = arith.select %broadcast_in_dim3A_12, %get3A_11, %broadcast_in_dim3A_13 : vector<256x1024xi1>, vector<256x1024xf32>
    %convert_element_type3A = arith.truncf %select_n3A : vector<256x1024xf32> to vector<256x1024xbf16>
    %get3A_14 = arith.constant 0 : index
    %get3A_15 = arith.constant 0 : index
    %get3A_16 = arith.constant 0 : index
    %get3A_17 = vector.load %arg8[%get3A_14, %get3A_15, %get3A_16] : memref<1x1024x1024xbf16, #tpu.memory_space<vmem>>, vector<1x1024x1024xbf16>
    %get3A_18 = vector.shape_cast %get3A_17 : vector<1x1024x1024xbf16> to vector<1024x1024xbf16>
    %dot_general3A = arith.constant dense<0.000000e+00> : vector<256x1024xf32>
    %dot_general3A_19 = tpu.matmul %convert_element_type3A, %get3A_18, %dot_general3A {dimension_numbers = #tpu.dot_dimension_numbers<[1], [0], [0], [1], [0, 0, 1, 1], [], []>, transpose_lhs_hint = false} : vector<256x1024xbf16>, vector<1024x1024xbf16>, vector<256x1024xf32> -> vector<256x1024xf32>
    %get3A_20 = arith.constant 0 : index
    %get3A_21 = arith.constant 0 : index
    %get3A_22 = arith.constant 0 : index
    %get3A_23 = vector.load %arg9[%get3A_20, %get3A_21, %get3A_22] : memref<1x1024x1024xbf16, #tpu.memory_space<vmem>>, vector<1x1024x1024xbf16>
    %get3A_24 = vector.shape_cast %get3A_23 : vector<1x1024x1024xbf16> to vector<1024x1024xbf16>
    %dot_general3A_25 = arith.constant dense<0.000000e+00> : vector<256x1024xf32>
    %dot_general3A_26 = tpu.matmul %convert_element_type3A, %get3A_24, %dot_general3A_25 {dimension_numbers = #tpu.dot_dimension_numbers<[1], [0], [0], [1], [0, 0, 1, 1], [], []>, transpose_lhs_hint = false} : vector<256x1024xbf16>, vector<1024x1024xbf16>, vector<256x1024xf32> -> vector<256x1024xf32>
    %logistic3A = arith.negf %dot_general3A_19 : vector<256x1024xf32>
    %logistic3A_27 = math.exp %logistic3A : vector<256x1024xf32>
    %logistic3A_28 = arith.constant 1.000000e+00 : f32
    %logistic3A_29 = vector.broadcast %logistic3A_28 : f32 to vector<256x1024xf32>
    %logistic3A_30 = arith.addf %logistic3A_29, %logistic3A_27 : vector<256x1024xf32>
    %logistic3A_31 = arith.divf %logistic3A_29, %logistic3A_30 : vector<256x1024xf32>
    %mul3A_32 = arith.mulf %dot_general3A_19, %logistic3A_31 : vector<256x1024xf32>
    %mul3A_33 = arith.mulf %mul3A_32, %dot_general3A_26 : vector<256x1024xf32>
    %convert_element_type3A_34 = arith.truncf %mul3A_33 : vector<256x1024xf32> to vector<256x1024xbf16>
    %get3A_35 = arith.constant 0 : index
    %get3A_36 = arith.constant 0 : index
    %get3A_37 = arith.constant 0 : index
    %get3A_38 = vector.load %arg10[%get3A_35, %get3A_36, %get3A_37] : memref<1x1024x1024xbf16, #tpu.memory_space<vmem>>, vector<1x1024x1024xbf16>
    %get3A_39 = vector.shape_cast %get3A_38 : vector<1x1024x1024xbf16> to vector<1024x1024xbf16>
    %dot_general3A_40 = arith.constant dense<0.000000e+00> : vector<256x1024xf32>
    %dot_general3A_41 = tpu.matmul %convert_element_type3A_34, %get3A_39, %dot_general3A_40 {dimension_numbers = #tpu.dot_dimension_numbers<[1], [0], [0], [1], [0, 0, 1, 1], [], []>, transpose_lhs_hint = false} : vector<256x1024xbf16>, vector<1024x1024xbf16>, vector<256x1024xf32> -> vector<256x1024xf32>
    %get3A_42 = arith.constant 0 : index
    %get3A_43 = arith.constant 0 : index
    %get3A_44 = vector.load %arg11[%get3A_42, %get3A_43] : memref<256x128xf32, #tpu.memory_space<vmem>>, vector<256x1xf32>
    %mul3A_45 = vector.broadcast %get3A_44 : vector<256x1xf32> to vector<256x1024xf32>
    %mul3A_46 = arith.mulf %dot_general3A_41, %mul3A_45 : vector<256x1024xf32>
    %eq3A = arith.constant 0 : i32
    %eq3A_47 = arith.cmpi eq, %arg1, %eq3A : i32
    %get3A_48 = arith.index_cast %arg0 : i32 to index
    %get3A_49 = memref.load %arg6[%get3A_48] : memref<15xi32, #tpu.memory_space<smem>>
    %eq3A_50 = arith.constant 1 : i32
    %eq3A_51 = arith.cmpi eq, %get3A_49, %eq3A_50 : i32
    %and3A_52 = arith.andi %eq3A_47, %eq3A_51 : i1
    %convert_element_type3A_53 = arith.extui %and3A_52 : i1 to i32
    %cond3A = arith.constant 0 : i32
    %cond3A_54 = arith.cmpi ne, %convert_element_type3A_53, %cond3A : i32
    scf.if %cond3A_54 {
      %swap3A = arith.constant 0 : index
      %swap3A_59 = arith.constant 0 : index
      %swap3A_60 = vector.load %arg12[%swap3A, %swap3A_59] : memref<256x1024xf32, #tpu.memory_space<vmem>>, vector<256x1024xf32>
      tpu.vector_store %arg12[%swap3A, %swap3A_59], %mul3A_46 {strides = array<i32>} : memref<256x1024xf32, #tpu.memory_space<vmem>>, vector<256x1024xf32>,
    } else {
    }
    %not3A = arith.constant true
    %not3A_55 = arith.xori %and3A_52, %not3A : i1
    %convert_element_type3A_56 = arith.extui %not3A_55 : i1 to i32
    %cond3A_57 = arith.constant 0 : i32
    %cond3A_58 = arith.cmpi ne, %convert_element_type3A_56, %cond3A_57 : i32
    scf.if %cond3A_58 {
      %get3A_59 = arith.constant 0 : index
      %get3A_60 = arith.constant 0 : index
      %get3A_61 = vector.load %arg12[%get3A_59, %get3A_60] : memref<256x1024xf32, #tpu.memory_space<vmem>>, vector<256x1024xf32>
      %add3A_62 = arith.addf %get3A_61, %mul3A_46 : vector<256x1024xf32>
      %swap3A = arith.constant 0 : index
      %swap3A_63 = arith.constant 0 : index
      %swap3A_64 = vector.load %arg12[%swap3A, %swap3A_63] : memref<256x1024xf32, #tpu.memory_space<vmem>>, vector<256x1024xf32>
      tpu.vector_store %arg12[%swap3A, %swap3A_63], %add3A_62 {strides = array<i32>} : memref<256x1024xf32, #tpu.memory_space<vmem>>, vector<256x1024xf32>,
    } else {
    }
    return
  }
  func.func @transform_0(%arg0: i32, %arg1: i32, %arg2: memref<15xi32, #tpu.memory_space<smem>>, %arg3: memref<15xi32, #tpu.memory_space<smem>>, %arg4: memref<15xi32, #tpu.memory_space<smem>>, %arg5: memref<15xi32, #tpu.memory_space<smem>>, %arg6: memref<15xi32, #tpu.memory_space<smem>>) -> (i32, i32) {
    %get3A = arith.index_cast %arg0 : i32 to index
    %get3A_0 = memref.load %arg2[%get3A] : memref<15xi32, #tpu.memory_space<smem>>
    %c0_i32 = arith.constant 0 : i32
    %c0_i32_1 = arith.constant 0 : i32
    return %get3A_0, %c0_i32 : i32, i32
  }
  func.func @transform_1(%arg0: i32, %arg1: i32, %arg2: memref<15xi32, #tpu.memory_space<smem>>, %arg3: memref<15xi32, #tpu.memory_space<smem>>, %arg4: memref<15xi32, #tpu.memory_space<smem>>, %arg5: memref<15xi32, #tpu.memory_space<smem>>, %arg6: memref<15xi32, #tpu.memory_space<smem>>) -> (i32, i32, i32) {
    %get3A = arith.index_cast %arg0 : i32 to index
    %get3A_0 = memref.load %arg3[%get3A] : memref<15xi32, #tpu.memory_space<smem>>
    %c0_i32 = arith.constant 0 : i32
    %c0_i32_1 = arith.constant 0 : i32
    return %get3A_0, %c0_i32, %arg1 : i32, i32, i32
  }
  func.func @transform_2(%arg0: i32, %arg1: i32, %arg2: memref<15xi32, #tpu.memory_space<smem>>, %arg3: memref<15xi32, #tpu.memory_space<smem>>, %arg4: memref<15xi32, #tpu.memory_space<smem>>, %arg5: memref<15xi32, #tpu.memory_space<smem>>, %arg6: memref<15xi32, #tpu.memory_space<smem>>) -> (i32, i32, i32) {
    %get3A = arith.index_cast %arg0 : i32 to index
    %get3A_0 = memref.load %arg3[%get3A] : memref<15xi32, #tpu.memory_space<smem>>
    %add3A = arith.constant 4 : i32
    %add3A_1 = arith.addi %add3A, %arg1 : i32
    %c0_i32 = arith.constant 0 : i32
    %c0_i32_2 = arith.constant 0 : i32
    return %get3A_0, %c0_i32, %add3A_1 : i32, i32, i32
  }
  func.func @transform_3(%arg0: i32, %arg1: i32, %arg2: memref<15xi32, #tpu.memory_space<smem>>, %arg3: memref<15xi32, #tpu.memory_space<smem>>, %arg4: memref<15xi32, #tpu.memory_space<smem>>, %arg5: memref<15xi32, #tpu.memory_space<smem>>, %arg6: memref<15xi32, #tpu.memory_space<smem>>) -> (i32, i32, i32) {
    %get3A = arith.index_cast %arg0 : i32 to index
    %get3A_0 = memref.load %arg3[%get3A] : memref<15xi32, #tpu.memory_space<smem>>
    %c0_i32 = arith.constant 0 : i32
    %c0_i32_1 = arith.constant 0 : i32
    return %get3A_0, %arg1, %c0_i32 : i32, i32, i32
  }
  func.func @transform_4(%arg0: i32, %arg1: i32, %arg2: memref<15xi32, #tpu.memory_space<smem>>, %arg3: memref<15xi32, #tpu.memory_space<smem>>, %arg4: memref<15xi32, #tpu.memory_space<smem>>, %arg5: memref<15xi32, #tpu.memory_space<smem>>, %arg6: memref<15xi32, #tpu.memory_space<smem>>) -> (i32, i32) {
    %get3A = arith.index_cast %arg0 : i32 to index
    %get3A_0 = memref.load %arg2[%get3A] : memref<15xi32, #tpu.memory_space<smem>>
    %c0_i32 = arith.constant 0 : i32
    %c0_i32_1 = arith.constant 0 : i32
    return %get3A_0, %c0_i32 : i32, i32
  }
  func.func @transform_5(%arg0: i32, %arg1: i32, %arg2: memref<15xi32, #tpu.memory_space<smem>>, %arg3: memref<15xi32, #tpu.memory_space<smem>>, %arg4: memref<15xi32, #tpu.memory_space<smem>>, %arg5: memref<15xi32, #tpu.memory_space<smem>>, %arg6: memref<15xi32, #tpu.memory_space<smem>>) -> (i32, i32) {
    %get3A = arith.index_cast %arg0 : i32 to index
    %get3A_0 = memref.load %arg2[%get3A] : memref<15xi32, #tpu.memory_space<smem>>
    %c0_i32 = arith.constant 0 : i32
    %c0_i32_1 = arith.constant 0 : i32
    return %get3A_0, %c0_i32 : i32, i32
  }
}

</mosaic_0001>

<sc_bundles>
// kernel: kernel.6.cloned.1.call-start
scs
__scs_entry_jumppad:
0x0: {  	(pc) =	sbr.rel $0x88, $3  }
0x1: {  	(tag) =	ssettag $0x0;
	lr =	simm.s32 $0x1  }
0x2: {  	[smem:$0x3F9C] =	sst lr;
	_ =	strace $0xD0000000  }
0x3: {  	_ = 	snop  }
0x4: {  	_ = 	snop  }
0x5: {  	_ = 	snop  }
0x6: {  	_ = 	snop  }
0x7: {  	_ = 	snop  }
__scs_overlays_trampoline_lowered:
0x8: {  	[smem:$0x3FAB] =	sst s0  }
0x9: {  	[smem:$0x3FAC] =	sst s1  }
0xa: {  	[smem:$0x3FAD] =	sst s2  }
0xb: {  	[smem:$0x3FAE] =	sst s3  }
0xc: {  	[smem:$0x3FAF] =	sst s4  }
0xd: {  	[smem:$0x3FB0] =	sst s5  }
0xe: {  	[smem:$0x3FB1] =	sst s6  }
0xf: {  	[smem:$0x3FB2] =	sst s7  }
0x10: {  	[smem:$0x3FB3] =	sst s8  }
0x11: {  	[smem:$0x3FB4] =	sst s9;
	s0 =	simm.s32 @!p0 $0x0  }
0x12: {  	s1 =	sld [smem:$0x3F9A];
	s0 =	simm.s32 @p0 $0x1  }
0x13: {  	[smem:$0x3FB5] =	sst s0;
	s0 =	simm.s32 @!p1 $0x0  }
0x14: {  	s2 =	sld [smem:$0x3F99];
	s0 =	simm.s32 @p1 $0x1  }
0x15: {  	[smem:$0x3FB6] =	sst s0;
	s0 =	simm.s32 @!p2 $0x0  }
0x16: {  	s3 =	sld [smem:$0x3FDB];
	s0 =	simm.s32 @p2 $0x1  }
0x17: {  	s4 =	simm.s32 $0x1BF5;
	[smem:$0x3FB8] =	sst s0  }
0x18: {  	s0 =	sld [smem:$0x3F9B];
	_ =	swait.ge [sflag:s4], $0x0  }
0x19: {  	s7 =	sld [smem:$0x3F9C]  }
0x1a: {  	s8 =	sadd.s32 $0xFFFFE003, lr  }
0x1b: {  	s9 =	sadd.s32 $0xFFFFFEF7, lr;
	s5 =	simm.s32 $0xFFFFFFFF;
	p2 =	slt.u32 s8, $0xFFFFF086  }
0x1c: {  	p1 =	slt.u32 s9, $0xF7A;
	s5 =	simm.s32 @!p2 $0x0  }
0x1d: {  	s5 =	simm.s32 @p1 $0x1;
	p0 =	seq.s32 s7, s2  }
0x1e: {  	s7 =	smul.u32 @!p0 $0xF7A, s2;
	p2 =	seq.s32 @!p0 s5, $0x0  }
0x1f: {  	s9 =	smul.u32 $0xF7A, s1;
	s8 =	simm.s32 @!p0 $0x1BF5;
	p2 =	por !p2, p0  }
0x20: {  	[sflag:s8] =	ssyncset.s32 @!p0 $0xFFFFF086;
	s6 =	sadd.s32 @!p0 s3, s7;
	s7 =	simm.s32 @!p0 $0x108  }
0x21: {  	s3 =	sadd.s32 s3, s9;
	s6 =	sadd.s32 @!p0 $0x88, s6;
	s7 =	simm.s32 @p2 $0x1082  }
0x22: {  	[simem:s7], [sflag:s8] =	dma.local @!p0 [hbm:s6], $0xF7A  }
0x23: {  	s9 =	sor.u32 $0xD0000000, s2;
	s6 =	simm.s32 $0x108;
	_ =	swait.ge @!p0 [sflag:s8], $0x0  }
0x24: {  	s3 =	sadd.s32 $0x88, s3;
	s6 =	simm.s32 @!p1 $0x1082;
	[sflag:s4] =	ssyncset.s32 $0xFFFFF086  }
0x25: {  	[simem:s6], [sflag:s4] =	dma.local [hbm:s3], $0xF7A  }
0x26: {  	[smem:$0x3F9C] =	sst s1;
	(tag) =	ssettag s2;
	_ =	strace s9  }
0x27: {  	s1 =	sld [smem:$0x3FAC]  }
0x28: {  	s2 =	sld [smem:$0x3FAD]  }
0x29: {  	s4 =	sld [smem:$0x3FAF]  }
0x2a: {  	p0 =	seq.s32 s5, $0x0;
	s5 =	sld [smem:$0x3FB0]  }
0x2b: {  	s6 =	sld [smem:$0x3FB1]  }
0x2c: {  	s7 =	sld [smem:$0x3FB2]  }
0x2d: {  	s3 =	simm.s32 $0x108;
	s8 =	sld [smem:$0x3FB3]  }
0x2e: {  	s3 =	simm.s32 @!p0 $0x1082;
	s9 =	sld [smem:$0x3FB4]  }
0x2f: {  	lr =	sadd.s32 s0, s3;
	s0 =	sld [smem:$0x3FAB]  }
0x30: {  	s3 =	sld [smem:$0x3FAE]  }
0x31: {  	[smem:$0x3FB7] =	sst s10  }
0x32: {  	s10 =	sld [smem:$0x3FB5];
	_ =	sdelay $0x3  }
0x33: {  	p0 =	seq.s32 s10, $0x1;
	s10 =	sld [smem:$0x3FB7];
	_ =	sdelay $0x3  }
0x34: {  	[smem:$0x3FB7] =	sst s10  }
0x35: {  	s10 =	sld [smem:$0x3FB6];
	_ =	sdelay $0x3  }
0x36: {  	p1 =	seq.s32 s10, $0x1;
	s10 =	sld [smem:$0x3FB7];
	_ =	sdelay $0x3  }
0x37: {  	[smem:$0x3FB7] =	sst s10  }
0x38: {  	s10 =	sld [smem:$0x3FB8]  }
0x39: {  	_ = 	snop;
	(pc) =	sbr.ind lr, $3  }
0x3a: {  	_ = 	snop  }
0x3b: {  	_ = 	snop  }
0x3c: {  	p2 =	seq.s32 s10, $0x1;
	s10 =	sld [smem:$0x3FB7]  }
0x3d: {  	_ =	shalt  }
0x3e: {  	_ =	shalt  }
0x3f: {  	_ =	shalt  }
0x40: {  	_ =	shalt  }
0x41: {  	_ =	shalt  }
0x42: {  	_ =	shalt  }
0x43: {  	_ =	shalt  }
0x44: {  	_ =	shalt  }
0x45: {  	_ =	shalt  }
0x46: {  	_ =	shalt  }
0x47: {  	_ =	shalt  }
0x48: {  	_ =	shalt  }
0x49: {  	_ =	shalt  }
0x4a: {  	_ =	shalt  }
0x4b: {  	_ =	shalt  }
0x4c: {  	_ =	shalt  }
0x4d: {  	_ =	shalt  }
0x4e: {  	_ =	shalt  }
0x4f: {  	_ =	shalt  }
0x50: {  	_ =	shalt  }
0x51: {  	_ =	shalt  }
0x52: {  	_ =	shalt  }
0x53: {  	_ =	shalt  }
0x54: {  	_ =	shalt  }
0x55: {  	_ =	shalt  }
0x56: {  	_ =	shalt  }
0x57: {  	_ =	shalt  }
0x58: {  	_ =	shalt  }
0x59: {  	_ =	shalt  }
0x5a: {  	_ =	shalt  }
0x5b: {  	_ =	shalt  }
0x5c: {  	_ =	shalt  }
0x5d: {  	_ =	shalt  }
0x5e: {  	_ =	shalt  }
0x5f: {  	_ =	shalt  }
0x60: {  	_ =	shalt  }
0x61: {  	_ =	shalt  }
0x62: {  	_ =	shalt  }
0x63: {  	_ =	shalt  }
0x64: {  	_ =	shalt  }
0x65: {  	_ =	shalt  }
0x66: {  	_ =	shalt  }
0x67: {  	_ =	shalt  }
0x68: {  	_ =	shalt  }
0x69: {  	_ =	shalt  }
0x6a: {  	_ =	shalt  }
0x6b: {  	_ =	shalt  }
0x6c: {  	_ =	shalt  }
0x6d: {  	_ =	shalt  }
0x6e: {  	_ =	shalt  }
0x6f: {  	_ =	shalt  }
0x70: {  	_ =	shalt  }
0x71: {  	_ =	shalt  }
0x72: {  	_ =	shalt  }
0x73: {  	_ =	shalt  }
0x74: {  	_ =	shalt  }
0x75: {  	_ =	shalt  }
0x76: {  	_ =	shalt  }
0x77: {  	_ =	shalt  }
0x78: {  	_ =	shalt  }
0x79: {  	_ =	shalt  }
0x7a: {  	_ =	shalt  }
0x7b: {  	_ =	shalt  }
0x7c: {  	_ =	shalt  }
0x7d: {  	_ =	shalt  }
0x7e: {  	_ =	shalt  }
0x7f: {  	_ =	shalt  }
0x80: {  	_ =	shalt  }
0x81: {  	_ =	shalt  }
0x82: {  	_ =	shalt  }
0x83: {  	_ =	shalt  }
0x84: {  	_ =	shalt  }
0x85: {  	_ =	shalt  }
0x86: {  	_ =	shalt  }
0x87: {  	_ =	shalt  }
.Lfunc_end0:
.L_simem_size_0:
called_computation_lowered:
.L_overlay_start_0:
0x88: {  	s2 =	sld [smem:$0x3FD9]  }
0x89: {  	s3 =	sld [smem:$0x3FFE];
	_ =	sdelay $0x1  }
0x8a: {  	s1 =	srdreg.scid  }
0x8b: {  	s0 =	sand.u32 $0x1, s1  }
0x8c: {  	s17 =	sshll.u32 s0, $0xA;
	s2 =	sadd.s32 s3, s2  }
0x8d: {  	s2 =	sadd.s32 s2, s17  }
0x8e: {  	[smem:$0x3FC3] =	sst s2  }
0x8f: {  	_ = 	snop  }
0x90: {  	s2 =	sld [smem:$0x3FC9]  }
0x91: {  	s18 =	sld [smem:$0x3FD0];
	(tm) =	ssettm $0x1  }
0x92: {  	s4 =	sld [smem:$0x3FFB];
	_ =	sdelay $0x3  }
0x93: {  	_ =	strace s4  }
0x94: {  	s4 =	sld [smem:$0x3FFC];
	_ =	sdelay $0x3  }
0x95: {  	_ =	strace s4  }
0x96: {  	s4 =	sld [smem:$0x3FFD];
	_ =	sdelay $0x3  }
0x97: {  	_ =	strace s4  }
0x98: {  	_ =	strace $0x8FFFFFFF  }
0x99: {  	s19 =	sld [smem:$0x3FDB];
	_ =	sdelay $0x1  }
0x9a: {  	s5 =	simm.s32 $_scs_section_size  }
0x9b: {  	s6 =	simm.s32 $_size__tile_overlayer_lowered;
	s7 =	simm.s32 $_tile_overlayer_lowered  }
0x9c: {  	s22 =	simm.s32 $0x1BFF;
	s21 =	sshll.u32 s7, $0x1;
	s4 =	sadd.s32 s5, s19  }
0x9d: {  	s8 =	simm.s32 $0x0;
	s20 =	sshll.u32 s6, $0x1;
	s6 =	sadd.s32 s21, s4  }
0x9e: {  	[timem:s8], [sflag:s22] =	dma.local [hbm:s6], s20  }
0x9f: {  	_ =	swait.ge [sflag:s22], s20  }
0xa0: {  	s5 =	ssub.s32 $0x0, s20;
	[sflag:s22] =	ssyncset.done $0x0  }
0xa1: {  	[sflag:s22] =	ssyncadd.s32 s5;
	_ =	sdelay $0x1  }
0xa2: {  	s23 =	simm.s32 $0x1B8B  }
0xa3: {  	_ =	swait.ge [sflag:s23], $0x1  }
0xa4: {  	[sflag:s23] =	ssyncset.done $0x0  }
0xa5: {  	s25 =	simm.s32 $0x1B8E;
	s24 =	sld [smem:$0x3FFE];
	[sflag:s23] =	ssyncadd.s32 $0xFFFFFFFF  }
0xa6: {  	s26 =	simm.s32 $execute0_lowered;
	[smem:$0x3FD2] =	sst s25  }
0xa7: {  	s6 =	sshll.u32 s26, $0x1;
	_ =	strace $0x80000046;
	[dreg:$0x1] =	wrdreg $0xFFFFFFFF  }
0xa8: {  	s28 =	simm.s32 $_size_execute0_lowered;
	s4 =	sadd.s32 s4, s6;
	[dreg:$0x0] =	wrdreg $0x0  }
0xa9: {  	s6 =	sshll.u32 s28, $0x1;
	[dreg:$0x2] =	wrdreg s4  }
0xaa: {  	[dreg:$0x3] =	wrdreg s6  }
0xab: {  	[dreg:$0x4] =	wrdreg $0xC0  }
0xac: {  	_ =	task [dreg:s8], $0x5FFFF  }
0xad: {  	[dreg:$0x1] =	wrdreg $0xFFFFFFFF  }
0xae: {  	[dreg:$0x0] =	wrdreg $0x60  }
0xaf: {  	[dreg:$0x2] =	wrdreg s2  }
0xb0: {  	[dreg:$0x3] =	wrdreg s24  }
0xb1: {  	[dreg:$0x4] =	wrdreg s18  }
0xb2: {  	[dreg:$0x5] =	wrdreg $0x9  }
0xb3: {  	_ =	task.clear_ibuf [dreg:s8], $0x6FFFF;
	_ =	strace $0x90000046  }
0xb4: {  	s29 =	simm.s32 $0x9;
	_ =	strace $0x80000048  }
0xb5: {  	_ =	swait.ge [sflag:s29], $0x1  }
0xb6: {  	[sflag:s29] =	ssyncadd.s32 $0xFFFFFFFF  }
0xb7: {  	_ =	strace $0x90000048  }
0xb8: {  	_ =	sfence  }
0xb9: {  	s30 =	sld [smem:$0x0];
	_ =	sdelay $0x2  }
0xba: {  	s31 =	sshll.u32 s1, $0xD;
	s1 =	sshrl.u32 s1, $0x2  }
0xbb: {  	s3 =	sand.u32 $0x4000, s31;
	s1 =	sadd.s32 s1, s30  }
0xbc: {  	s0 =	sor.u32 s3, s0;
	s1 =	sshll.u32 s1, $0x11  }
0xbd: {  	s0 =	sor.u32 s1, s0  }
0xbe: {  	s0 =	sadd.s32 $0x8F2B, s0  }
0xbf: {  	[sflag:s0] =	ssyncadd.remote.s32 $0x1  }
0xc0: {  	_ =	sfence.sel $0xFFFF  }
0xc1: {  	[dreg:$0x0] =	wrdreg $0xFFFFFFFF;
	(pc) =	sbr.abs _section_cstart, $3  }
0xc2: {  	[dreg:$0x1] =	wrdreg $0xFFFFFFFF  }
0xc3: {  	_ =	task.clear_ibuf [dreg:s8], $0x2FFFF;
	_ =	strace $0x9FFFFFFF  }
0xc4: {  	(tm) =	ssettm $0x7FFFFFFF  }
0xc5: {  	_ =	shalt  }
tec
execute0_lowered:
.L_overlay_start_1:
0x0: {  	(tag) =	ssettag $0x1  }
0x1: {  	s0 =	rddreg [dreg:$0x0]  }
0x2: {  	s4 =	rddreg [dreg:$0x1];
	s3 =	srdreg.scid  }
0x3: {  	s2 =	rddreg [dreg:$0x2];
	s5 =	sand.u32 $0x1, s3;
	s3 =	simm.s32 $0x0  }
0x4: {  	s9 =	sadd.s32 $0x8600, s4;
	[smem:$0x7FF] =	sst s3  }
0x5: {  	s12 =	simm.s32 $0x880;
	_ =	strace $0x80000047;
	[dreg:$0x4] =	wrdreg s9  }
0x6: {  	s13 =	simm.s32 $0x1080;
	[dreg:$0x8] =	wrdreg s12  }
0x7: {  	s14 =	simm.s32 $0x1880;
	[dreg:$0x9] =	wrdreg s13  }
0x8: {  	s1 =	stileid.u32;
	s15 =	simm.s32 $0x2080;
	[dreg:$0xa] =	wrdreg s14  }
0x9: {  	s16 =	simm.s32 $0x2880;
	s18 =	simm.s32 $0x3080;
	[dreg:$0xb] =	wrdreg s15  }
0xa: {  	s19 =	simm.s32 $0x3880;
	s21 =	simm.s32 $0x4080;
	[dreg:$0xc] =	wrdreg s16  }
0xb: {  	s22 =	simm.s32 $0x4880;
	s23 =	simm.s32 $0x5080;
	[dreg:$0xd] =	wrdreg s18  }
0xc: {  	s24 =	simm.s32 $0x5880;
	s25 =	simm.s32 $0x6080;
	[dreg:$0xe] =	wrdreg s19  }
0xd: {  	s26 =	simm.s32 $0x6880;
	s10 =	simm.s32 $0x10080;
	[dreg:$0xf] =	wrdreg s21  }
0xe: {  	s28 =	simm.s32 $0xF080;
	s29 =	simm.s32 $0xF880;
	[dreg:$0x10] =	wrdreg s22  }
0xf: {  	s30 =	simm.s32 $0x40;
	s31 =	simm.s32 $0x1;
	[dreg:$0x11] =	wrdreg s23  }
0x10: {  	s6 =	sshll.u32 s1, $0x7;
	s7 =	sshll.u32 s5, $0x6;
	[dreg:$0x12] =	wrdreg s24  }
0x11: {  	s17 =	ssub.s32 $0x2, s5;
	s6 =	sor.u32 s7, s6;
	[dreg:$0x13] =	wrdreg s25  }
0x12: {  	s5 =	sshrl.u32 s17, $0x1;
	s9 =	simm.s32 $0x80;
	[dreg:$0x14] =	wrdreg s26  }
0x13: {  	s12 =	simm.s32 $0x7880;
	s13 =	simm.s32 $0x8080;
	s14 =	simm.s32 $0x8880  }
0x14: {  	s15 =	simm.s32 $0x9080;
	s16 =	simm.s32 $0x9880;
	s18 =	simm.s32 $0xA880  }
0x15: {  	s19 =	simm.s32 $0xB080;
	s21 =	simm.s32 $0xC080;
	s22 =	simm.s32 $0xC880  }
0x16: {  	s23 =	simm.s32 $0xD080;
	s24 =	simm.s32 $0xD880;
	s25 =	simm.s32 $0xE080  }
0x17: {  	s26 =	simm.s32 $0xE880;
	s7 =	sshrl.u32 s6, $0x3;
	s8 =	sshll.u32 s6, $0x4  }
0x18: {  	s6 =	sshll.u32 s6, $0x7;
	s20 =	ssub.s32 s17, s5;
	s5 =	sadd.s32 $0x200, s2  }
0x19: {  	s17 =	simm.s32 $0xA080;
	s7 =	sadd.s32 s7, s4;
	s4 =	sadd.s32 s8, s4  }
0x1a: {  	s0 =	sadd.s32 s0, s6;
	s6 =	sadd.s32 $0x300, s2;
	s8 =	simm.s32 $0x3  }
0x1b: {  	v2 =	vlaneseq.u32;
	s7 =	sadd.s32 $0x400, s7;
	[dreg:$0x6] =	wrdreg s0;
	s11 =	sadd.s32 $0x600, s4  }
0x1c: {  	vm0 =	vmmov $0xffff;
	v1 =	vshrl.u32 v2, $0x3;
	s4 =	sadd.s32 $0x100, s2;
	s0 =	simm.s32 $0x2;
	[dreg:$0x5] =	wrdreg s7  }
0x1d: {  	v0 =	vand.u32 $0x7, v2;
	v2 =	vor.u32 $0x8, v2;
	v1 =	vmul.u32 $0x8, v1;
	[dreg:$0x7] =	wrdreg s11;
	s7 =	smax.u32 s20, $0x1;
	s20 =	simm.s32 $0xB880  }
.LBB2_1:
0x1e: {  	s1 =	rddreg [dreg:$0x5]  }
0x1f: {  	[tilespmem:s3], [sflag:$0x3] =	stream.linear.gather [hbm4b:s1+s3], $0x40, $0x38;
	[tilespmem:$0x12080] =	vst v63  }
0x20: {  	_ =	swait.ge [sflag:s8], $0x40  }
0x21: {  	[sflag:s8] =	ssyncset.done $0x0  }
0x22: {  	s11 =	rddreg [dreg:$0x6];
	[sflag:s8] =	ssyncadd.s32 $0xFFFFFFC0  }
0x23: {  	[tilespmem:s9], [sflag:$0x3] =	stream.linear.gather [hbm4b:s11+s3], $0x10000, $0x38;
	[tilespmem:$0x12080] =	vst v63  }
0x24: {  	_ =	swait.ge [sflag:s8], $0x10000  }
0x25: {  	[sflag:s8] =	ssyncset.done $0x0  }
0x26: {  	s11 =	rddreg [dreg:$0x7];
	[sflag:s8] =	ssyncadd.s32 $0xFFFF0000  }
0x27: {  	[tilespmem:s10], [sflag:$0x3] =	stream.linear.gather [hbm4b:s11+s3], $0x2000, $0x38;
	[tilespmem:$0x12080] =	vst v63  }
0x28: {  	_ =	swait.ge [sflag:s8], $0x2000  }
0x29: {  	[sflag:s8] =	ssyncset.done $0x0  }
0x2a: {  	[sflag:s8] =	ssyncadd.s32 $0xFFFFE000  }
0x2b: {  	v3 =	vld [tilespmem:$0x0];
	_ =	sdelay $0x4  }
0x2c: {  	v4 =	vshll.u32 v3, $0x3  }
0x2d: {  	v3 =	vand.u32 $0x7, v3;
	v4 =	vand.u32 $0xFFFFFFC0, v4  }
0x2e: {  	v3 =	vor.u32 v3, v4  }
0x2f: {  	v4 =	vperm.xlane v3, v0;
	_ =	sdelay $0x1  }
0x30: {  	v4 =	vadd.s32 v1, v4;
	_ =	sdelay $0x4  }
0x31: {  	[hbm4b:s2+s3] =	stream.indirect_vreg.scatter [tilespmem:s9], [sflag:$0x1], $0x80, v4, vm0, $0xb8;
	[tilespmem:$0x12080] =	vst v63  }
0x32: {  	s1 =	rddreg [dreg:$0x8];
	v3 =	vperm.xlane v3, v2  }
0x33: {  	[hbm4b:s4+s3] =	stream.indirect_vreg.scatter [tilespmem:s1], [sflag:$0x1], $0x80, v4, vm0, $0xb8;
	[tilespmem:$0x12080] =	vst v63  }
0x34: {  	s11 =	rddreg [dreg:$0x9];
	v3 =	vadd.s32 v1, v3  }
0x35: {  	[hbm4b:s5+s3] =	stream.indirect_vreg.scatter [tilespmem:s11], [sflag:$0x1], $0x80, v4, vm0, $0xb8;
	[tilespmem:$0x12080] =	vst v63  }
0x36: {  	s1 =	rddreg [dreg:$0xa]  }
0x37: {  	[hbm4b:s6+s3] =	stream.indirect_vreg.scatter [tilespmem:s1], [sflag:$0x1], $0x80, v4, vm0, $0xb8;
	[tilespmem:$0x12080] =	vst v63  }
0x38: {  	s11 =	rddreg [dreg:$0xb]  }
0x39: {  	[hbm4b:s2+s3] =	stream.indirect_vreg.scatter [tilespmem:s11], [sflag:$0x1], $0x80, v3, vm0, $0xb8;
	[tilespmem:$0x12080] =	vst v63  }
0x3a: {  	s1 =	rddreg [dreg:$0xc]  }
0x3b: {  	[hbm4b:s4+s3] =	stream.indirect_vreg.scatter [tilespmem:s1], [sflag:$0x1], $0x80, v3, vm0, $0xb8;
	[tilespmem:$0x12080] =	vst v63  }
0x3c: {  	s11 =	rddreg [dreg:$0xd]  }
0x3d: {  	[hbm4b:s5+s3] =	stream.indirect_vreg.scatter [tilespmem:s11], [sflag:$0x1], $0x80, v3, vm0, $0xb8;
	[tilespmem:$0x12080] =	vst v63  }
0x3e: {  	s1 =	rddreg [dreg:$0xe]  }
0x3f: {  	[hbm4b:s6+s3] =	stream.indirect_vreg.scatter [tilespmem:s1], [sflag:$0x1], $0x80, v3, vm0, $0xb8;
	[tilespmem:$0x12080] =	vst v63  }
0x40: {  	v3 =	vld [tilespmem:$0x10];
	_ =	sdelay $0x4  }
0x41: {  	v61 =	vshll.u32 v3, $0x3  }
0x42: {  	v3 =	vand.u32 $0x7, v3;
	v4 =	vand.u32 $0xFFFFFFC0, v61  }
0x43: {  	v3 =	vor.u32 v3, v4  }
0x44: {  	v4 =	vperm.xlane v3, v0;
	_ =	sdelay $0x1  }
0x45: {  	v4 =	vadd.s32 v1, v4;
	_ =	sdelay $0x3  }
0x46: {  	s1 =	rddreg [dreg:$0xf]  }
0x47: {  	[hbm4b:s2+s3] =	stream.indirect_vreg.scatter [tilespmem:s1], [sflag:$0x1], $0x80, v4, vm0, $0xb8;
	[tilespmem:$0x12080] =	vst v63  }
0x48: {  	s11 =	rddreg [dreg:$0x10];
	v3 =	vperm.xlane v3, v2  }
0x49: {  	[hbm4b:s4+s3] =	stream.indirect_vreg.scatter [tilespmem:s11], [sflag:$0x1], $0x80, v4, vm0, $0xb8;
	[tilespmem:$0x12080] =	vst v63  }
0x4a: {  	v3 =	vadd.s32 v1, v3;
	s1 =	rddreg [dreg:$0x11]  }
0x4b: {  	[hbm4b:s5+s3] =	stream.indirect_vreg.scatter [tilespmem:s1], [sflag:$0x1], $0x80, v4, vm0, $0xb8;
	[tilespmem:$0x12080] =	vst v63  }
0x4c: {  	s11 =	rddreg [dreg:$0x12]  }
0x4d: {  	[hbm4b:s6+s3] =	stream.indirect_vreg.scatter [tilespmem:s11], [sflag:$0x1], $0x80, v4, vm0, $0xb8;
	[tilespmem:$0x12080] =	vst v63  }
0x4e: {  	s1 =	rddreg [dreg:$0x13]  }
0x4f: {  	[hbm4b:s2+s3] =	stream.indirect_vreg.scatter [tilespmem:s1], [sflag:$0x1], $0x80, v3, vm0, $0xb8;
	[tilespmem:$0x12080] =	vst v63  }
0x50: {  	s11 =	rddreg [dreg:$0x14]  }
0x51: {  	[hbm4b:s4+s3] =	stream.indirect_vreg.scatter [tilespmem:s11], [sflag:$0x1], $0x80, v3, vm0, $0xb8;
	[tilespmem:$0x12080] =	vst v63  }
0x52: {  	s11 =	simm.s32 $0x7080  }
0x53: {  	[hbm4b:s5+s3] =	stream.indirect_vreg.scatter [tilespmem:s11], [sflag:$0x1], $0x80, v3, vm0, $0xb8;
	[tilespmem:$0x12080] =	vst v63  }
0x54: {  	_ = 	snop  }
0x55: {  	[hbm4b:s6+s3] =	stream.indirect_vreg.scatter [tilespmem:s12], [sflag:$0x1], $0x80, v3, vm0, $0xb8;
	[tilespmem:$0x12080] =	vst v63  }
0x56: {  	v3 =	vld [tilespmem:$0x20];
	_ =	sdelay $0x4  }
0x57: {  	v62 =	vshll.u32 v3, $0x3  }
0x58: {  	v3 =	vand.u32 $0x7, v3;
	v4 =	vand.u32 $0xFFFFFFC0, v62  }
0x59: {  	v3 =	vor.u32 v3, v4  }
0x5a: {  	v4 =	vperm.xlane v3, v0;
	_ =	sdelay $0x1  }
0x5b: {  	v4 =	vadd.s32 v1, v4;
	_ =	sdelay $0x4  }
0x5c: {  	[hbm4b:s2+s3] =	stream.indirect_vreg.scatter [tilespmem:s13], [sflag:$0x1], $0x80, v4, vm0, $0xb8;
	[tilespmem:$0x12080] =	vst v63  }
0x5d: {  	v3 =	vperm.xlane v3, v2  }
0x5e: {  	[hbm4b:s4+s3] =	stream.indirect_vreg.scatter [tilespmem:s14], [sflag:$0x1], $0x80, v4, vm0, $0xb8;
	[tilespmem:$0x12080] =	vst v63  }
0x5f: {  	v3 =	vadd.s32 v1, v3  }
0x60: {  	[hbm4b:s5+s3] =	stream.indirect_vreg.scatter [tilespmem:s15], [sflag:$0x1], $0x80, v4, vm0, $0xb8;
	[tilespmem:$0x12080] =	vst v63  }
0x61: {  	_ = 	snop  }
0x62: {  	[hbm4b:s6+s3] =	stream.indirect_vreg.scatter [tilespmem:s16], [sflag:$0x1], $0x80, v4, vm0, $0xb8;
	[tilespmem:$0x12080] =	vst v63  }
0x63: {  	_ = 	snop  }
0x64: {  	[hbm4b:s2+s3] =	stream.indirect_vreg.scatter [tilespmem:s17], [sflag:$0x1], $0x80, v3, vm0, $0xb8;
	[tilespmem:$0x12080] =	vst v63  }
0x65: {  	_ = 	snop  }
0x66: {  	[hbm4b:s4+s3] =	stream.indirect_vreg.scatter [tilespmem:s18], [sflag:$0x1], $0x80, v3, vm0, $0xb8;
	[tilespmem:$0x12080] =	vst v63  }
0x67: {  	_ = 	snop  }
0x68: {  	[hbm4b:s5+s3] =	stream.indirect_vreg.scatter [tilespmem:s19], [sflag:$0x1], $0x80, v3, vm0, $0xb8;
	[tilespmem:$0x12080] =	vst v63  }
0x69: {  	_ = 	snop  }
0x6a: {  	[hbm4b:s6+s3] =	stream.indirect_vreg.scatter [tilespmem:s20], [sflag:$0x1], $0x80, v3, vm0, $0xb8;
	[tilespmem:$0x12080] =	vst v63  }
0x6b: {  	v3 =	vld [tilespmem:$0x30];
	_ =	sdelay $0x4  }
0x6c: {  	v63 =	vshll.u32 v3, $0x3  }
0x6d: {  	v3 =	vand.u32 $0x7, v3;
	v4 =	vand.u32 $0xFFFFFFC0, v63  }
0x6e: {  	v3 =	vor.u32 v3, v4  }
0x6f: {  	v4 =	vperm.xlane v3, v0;
	_ =	sdelay $0x1  }
0x70: {  	v4 =	vadd.s32 v1, v4;
	_ =	sdelay $0x4  }
0x71: {  	[hbm4b:s2+s3] =	stream.indirect_vreg.scatter [tilespmem:s21], [sflag:$0x1], $0x80, v4, vm0, $0xb8;
	[tilespmem:$0x12080] =	vst v63  }
0x72: {  	v3 =	vperm.xlane v3, v2  }
0x73: {  	[hbm4b:s4+s3] =	stream.indirect_vreg.scatter [tilespmem:s22], [sflag:$0x1], $0x80, v4, vm0, $0xb8;
	[tilespmem:$0x12080] =	vst v63  }
0x74: {  	v3 =	vadd.s32 v1, v3  }
0x75: {  	[hbm4b:s5+s3] =	stream.indirect_vreg.scatter [tilespmem:s23], [sflag:$0x1], $0x80, v4, vm0, $0xb8;
	[tilespmem:$0x12080] =	vst v63  }
0x76: {  	_ = 	snop  }
0x77: {  	[hbm4b:s6+s3] =	stream.indirect_vreg.scatter [tilespmem:s24], [sflag:$0x1], $0x80, v4, vm0, $0xb8;
	[tilespmem:$0x12080] =	vst v63  }
0x78: {  	_ = 	snop  }
0x79: {  	[hbm4b:s2+s3] =	stream.indirect_vreg.scatter [tilespmem:s25], [sflag:$0x1], $0x80, v3, vm0, $0xb8;
	[tilespmem:$0x12080] =	vst v63  }
0x7a: {  	_ = 	snop  }
0x7b: {  	[hbm4b:s4+s3] =	stream.indirect_vreg.scatter [tilespmem:s26], [sflag:$0x1], $0x80, v3, vm0, $0xb8;
	[tilespmem:$0x12080] =	vst v63  }
0x7c: {  	_ = 	snop  }
0x7d: {  	[hbm4b:s5+s3] =	stream.indirect_vreg.scatter [tilespmem:s28], [sflag:$0x1], $0x80, v3, vm0, $0xb8;
	[tilespmem:$0x12080] =	vst v63  }
0x7e: {  	_ = 	snop  }
0x7f: {  	[hbm4b:s6+s3] =	stream.indirect_vreg.scatter [tilespmem:s29], [sflag:$0x1], $0x80, v3, vm0, $0xb8;
	[tilespmem:$0x12080] =	vst v63  }
0x80: {  	s11 =	rddreg [dreg:$0x4]  }
0x81: {  	[hbm4b:s11+s30] =	stream.indirect.scatter [tilespmem:s10], [sflag:$0x2], $0x80, s3, s30, $0xb8;
	[tilespmem:$0x12080] =	vst v63  }
0x82: {  	p0 =	sne.s32 s7, $0x1;
	_ =	swait.ge [sflag:s31], $0x10000  }
.Ltmp0:
0x83: {  	[sflag:s31] =	ssyncset.done $0x0;
	(pc) =	sbr.rel @p0 .LBB2_1-.Ltmp0, $4  }
0x84: {  	[sflag:s31] =	ssyncadd.s32 $0xFFFF0000  }
0x85: {  	_ =	swait.ge [sflag:s0], $0x2000  }
0x86: {  	[sflag:s0] =	ssyncset.done $0x0  }
0x87: {  	s7 =	sadd.s32 $0xFFFFFFFF, s7;
	[sflag:s0] =	ssyncadd.s32 $0xFFFFE000  }
0x88: {  	_ =	sfence.sel $0x180000  }
0x89: {  	[bflag:$0x0] =	sbarrier.arrive $0xFFFF  }
0x8a: {  	_ =	strace $0x90000047  }
0x8b: {  	s0 =	stileid.u32;
	[bflag:$0x2] =	sbarrier.arrive $0xFFFF  }
0x8c: {  	p0 =	sne.s32 s0, $0x0;
	s0 =	rddreg [dreg:$0x3]  }
0x8d: {  	s0 =	sadd.s32 @!p0 $0x100000, s0  }
0x8e: {  	[sflag:s0] =	ssyncadd.tile.s32 @!p0 $0x1;
	_ =	shalt  }
.Lfunc_end2:
_tile_overlayer_lowered:
.L_overlay_start_2:
0x8f: {  	(tag) =	ssettag $0x2  }
0x90: {  	s0 =	rddreg [dreg:$0x0];
	s2 =	stileid.u32  }
0x91: {  	s1 =	rddreg [dreg:$0x1];
	p0 =	sne.s32 s2, $0x0  }
0x92: {  	s3 =	rddreg [dreg:$0x2];
	[bflag:$0x3] =	sbarrier.arrive $0xFFFF;
	s2 =	simm.s32 @!p0 $0x1C03  }
0x93: {  	[timem:s3], [sflag:s2] =	dma.local @!p0 [hbm:s0], s1  }
0x94: {  	s0 =	simm.s32 @!p0 $0x3  }
0x95: {  	_ =	swait.ge @!p0 [sflag:s0], s1  }
0x96: {  	s1 =	ssub.s32 @!p0 $0x0, s1;
	[sflag:s0] =	ssyncset.done @!p0 $0x0  }
0x97: {  	[sflag:s0] =	ssyncadd.s32 @!p0 s1  }
0x98: {  	[bflag:$0x3] =	sbarrier.arrive $0xFFFF  }
0x99: {  	_ =	shalt  }

// kernel: kernel.9.cloned.1.call-start
scs
__scs_entry_jumppad:
0x0: {  	(pc) =	sbr.rel $0x88, $3  }
0x1: {  	(tag) =	ssettag $0x0;
	lr =	simm.s32 $0x1  }
0x2: {  	[smem:$0x3F9C] =	sst lr;
	_ =	strace $0xD0000000  }
0x3: {  	_ = 	snop  }
0x4: {  	_ = 	snop  }
0x5: {  	_ = 	snop  }
0x6: {  	_ = 	snop  }
0x7: {  	_ = 	snop  }
__scs_overlays_trampoline_lowered:
0x8: {  	[smem:$0x3FAB] =	sst s0  }
0x9: {  	[smem:$0x3FAC] =	sst s1  }
0xa: {  	[smem:$0x3FAD] =	sst s2  }
0xb: {  	[smem:$0x3FAE] =	sst s3  }
0xc: {  	[smem:$0x3FAF] =	sst s4  }
0xd: {  	[smem:$0x3FB0] =	sst s5  }
0xe: {  	[smem:$0x3FB1] =	sst s6  }
0xf: {  	[smem:$0x3FB2] =	sst s7  }
0x10: {  	[smem:$0x3FB3] =	sst s8  }
0x11: {  	[smem:$0x3FB4] =	sst s9;
	s0 =	simm.s32 @!p0 $0x0  }
0x12: {  	s1 =	sld [smem:$0x3F9A];
	s0 =	simm.s32 @p0 $0x1  }
0x13: {  	[smem:$0x3FB5] =	sst s0;
	s0 =	simm.s32 @!p1 $0x0  }
0x14: {  	s2 =	sld [smem:$0x3F99];
	s0 =	simm.s32 @p1 $0x1  }
0x15: {  	[smem:$0x3FB6] =	sst s0;
	s0 =	simm.s32 @!p2 $0x0  }
0x16: {  	s3 =	sld [smem:$0x3FDB];
	s0 =	simm.s32 @p2 $0x1  }
0x17: {  	s4 =	simm.s32 $0x1BF5;
	[smem:$0x3FB8] =	sst s0  }
0x18: {  	s0 =	sld [smem:$0x3F9B];
	_ =	swait.ge [sflag:s4], $0x0  }
0x19: {  	s7 =	sld [smem:$0x3F9C]  }
0x1a: {  	s8 =	sadd.s32 $0xFFFFE003, lr  }
0x1b: {  	s9 =	sadd.s32 $0xFFFFFEF7, lr;
	s5 =	simm.s32 $0xFFFFFFFF;
	p2 =	slt.u32 s8, $0xFFFFF086  }
0x1c: {  	p1 =	slt.u32 s9, $0xF7A;
	s5 =	simm.s32 @!p2 $0x0  }
0x1d: {  	s5 =	simm.s32 @p1 $0x1;
	p0 =	seq.s32 s7, s2  }
0x1e: {  	s7 =	smul.u32 @!p0 $0xF7A, s2;
	p2 =	seq.s32 @!p0 s5, $0x0  }
0x1f: {  	s9 =	smul.u32 $0xF7A, s1;
	s8 =	simm.s32 @!p0 $0x1BF5;
	p2 =	por !p2, p0  }
0x20: {  	[sflag:s8] =	ssyncset.s32 @!p0 $0xFFFFF086;
	s6 =	sadd.s32 @!p0 s3, s7;
	s7 =	simm.s32 @!p0 $0x108  }
0x21: {  	s3 =	sadd.s32 s3, s9;
	s6 =	sadd.s32 @!p0 $0x88, s6;
	s7 =	simm.s32 @p2 $0x1082  }
0x22: {  	[simem:s7], [sflag:s8] =	dma.local @!p0 [hbm:s6], $0xF7A  }
0x23: {  	s9 =	sor.u32 $0xD0000000, s2;
	s6 =	simm.s32 $0x108;
	_ =	swait.ge @!p0 [sflag:s8], $0x0  }
0x24: {  	s3 =	sadd.s32 $0x88, s3;
	s6 =	simm.s32 @!p1 $0x1082;
	[sflag:s4] =	ssyncset.s32 $0xFFFFF086  }
0x25: {  	[simem:s6], [sflag:s4] =	dma.local [hbm:s3], $0xF7A  }
0x26: {  	[smem:$0x3F9C] =	sst s1;
	(tag) =	ssettag s2;
	_ =	strace s9  }
0x27: {  	s1 =	sld [smem:$0x3FAC]  }
0x28: {  	s2 =	sld [smem:$0x3FAD]  }
0x29: {  	s4 =	sld [smem:$0x3FAF]  }
0x2a: {  	p0 =	seq.s32 s5, $0x0;
	s5 =	sld [smem:$0x3FB0]  }
0x2b: {  	s6 =	sld [smem:$0x3FB1]  }
0x2c: {  	s7 =	sld [smem:$0x3FB2]  }
0x2d: {  	s3 =	simm.s32 $0x108;
	s8 =	sld [smem:$0x3FB3]  }
0x2e: {  	s3 =	simm.s32 @!p0 $0x1082;
	s9 =	sld [smem:$0x3FB4]  }
0x2f: {  	lr =	sadd.s32 s0, s3;
	s0 =	sld [smem:$0x3FAB]  }
0x30: {  	s3 =	sld [smem:$0x3FAE]  }
0x31: {  	[smem:$0x3FB7] =	sst s10  }
0x32: {  	s10 =	sld [smem:$0x3FB5];
	_ =	sdelay $0x3  }
0x33: {  	p0 =	seq.s32 s10, $0x1;
	s10 =	sld [smem:$0x3FB7];
	_ =	sdelay $0x3  }
0x34: {  	[smem:$0x3FB7] =	sst s10  }
0x35: {  	s10 =	sld [smem:$0x3FB6];
	_ =	sdelay $0x3  }
0x36: {  	p1 =	seq.s32 s10, $0x1;
	s10 =	sld [smem:$0x3FB7];
	_ =	sdelay $0x3  }
0x37: {  	[smem:$0x3FB7] =	sst s10  }
0x38: {  	s10 =	sld [smem:$0x3FB8]  }
0x39: {  	_ = 	snop;
	(pc) =	sbr.ind lr, $3  }
0x3a: {  	_ = 	snop  }
0x3b: {  	_ = 	snop  }
0x3c: {  	p2 =	seq.s32 s10, $0x1;
	s10 =	sld [smem:$0x3FB7]  }
0x3d: {  	_ =	shalt  }
0x3e: {  	_ =	shalt  }
0x3f: {  	_ =	shalt  }
0x40: {  	_ =	shalt  }
0x41: {  	_ =	shalt  }
0x42: {  	_ =	shalt  }
0x43: {  	_ =	shalt  }
0x44: {  	_ =	shalt  }
0x45: {  	_ =	shalt  }
0x46: {  	_ =	shalt  }
0x47: {  	_ =	shalt  }
0x48: {  	_ =	shalt  }
0x49: {  	_ =	shalt  }
0x4a: {  	_ =	shalt  }
0x4b: {  	_ =	shalt  }
0x4c: {  	_ =	shalt  }
0x4d: {  	_ =	shalt  }
0x4e: {  	_ =	shalt  }
0x4f: {  	_ =	shalt  }
0x50: {  	_ =	shalt  }
0x51: {  	_ =	shalt  }
0x52: {  	_ =	shalt  }
0x53: {  	_ =	shalt  }
0x54: {  	_ =	shalt  }
0x55: {  	_ =	shalt  }
0x56: {  	_ =	shalt  }
0x57: {  	_ =	shalt  }
0x58: {  	_ =	shalt  }
0x59: {  	_ =	shalt  }
0x5a: {  	_ =	shalt  }
0x5b: {  	_ =	shalt  }
0x5c: {  	_ =	shalt  }
0x5d: {  	_ =	shalt  }
0x5e: {  	_ =	shalt  }
0x5f: {  	_ =	shalt  }
0x60: {  	_ =	shalt  }
0x61: {  	_ =	shalt  }
0x62: {  	_ =	shalt  }
0x63: {  	_ =	shalt  }
0x64: {  	_ =	shalt  }
0x65: {  	_ =	shalt  }
0x66: {  	_ =	shalt  }
0x67: {  	_ =	shalt  }
0x68: {  	_ =	shalt  }
0x69: {  	_ =	shalt  }
0x6a: {  	_ =	shalt  }
0x6b: {  	_ =	shalt  }
0x6c: {  	_ =	shalt  }
0x6d: {  	_ =	shalt  }
0x6e: {  	_ =	shalt  }
0x6f: {  	_ =	shalt  }
0x70: {  	_ =	shalt  }
0x71: {  	_ =	shalt  }
0x72: {  	_ =	shalt  }
0x73: {  	_ =	shalt  }
0x74: {  	_ =	shalt  }
0x75: {  	_ =	shalt  }
0x76: {  	_ =	shalt  }
0x77: {  	_ =	shalt  }
0x78: {  	_ =	shalt  }
0x79: {  	_ =	shalt  }
0x7a: {  	_ =	shalt  }
0x7b: {  	_ =	shalt  }
0x7c: {  	_ =	shalt  }
0x7d: {  	_ =	shalt  }
0x7e: {  	_ =	shalt  }
0x7f: {  	_ =	shalt  }
0x80: {  	_ =	shalt  }
0x81: {  	_ =	shalt  }
0x82: {  	_ =	shalt  }
0x83: {  	_ =	shalt  }
0x84: {  	_ =	shalt  }
0x85: {  	_ =	shalt  }
0x86: {  	_ =	shalt  }
0x87: {  	_ =	shalt  }
.Lfunc_end0:
.L_simem_size_0:
called_computation.1_lowered:
.L_overlay_start_0:
0x88: {  	s2 =	sld [smem:$0x3FD9]  }
0x89: {  	s3 =	sld [smem:$0x3FFE];
	_ =	sdelay $0x1  }
0x8a: {  	s1 =	srdreg.scid  }
0x8b: {  	s0 =	sand.u32 $0x1, s1  }
0x8c: {  	s17 =	sshll.u32 s0, $0xA;
	s2 =	sadd.s32 s3, s2  }
0x8d: {  	s2 =	sadd.s32 s2, s17  }
0x8e: {  	[smem:$0x3FC3] =	sst s2  }
0x8f: {  	_ = 	snop  }
0x90: {  	s2 =	sld [smem:$0x3FD0];
	(tm) =	ssettm $0x1  }
0x91: {  	s18 =	sld [smem:$0x3FFB];
	_ =	sdelay $0x3  }
0x92: {  	_ =	strace s18  }
0x93: {  	s3 =	sld [smem:$0x3FFC];
	_ =	sdelay $0x3  }
0x94: {  	_ =	strace s3  }
0x95: {  	s3 =	sld [smem:$0x3FFD];
	_ =	sdelay $0x3  }
0x96: {  	_ =	strace s3  }
0x97: {  	_ =	strace $0x8FFFFFFF  }
0x98: {  	s19 =	sld [smem:$0x3FDB];
	_ =	sdelay $0x1  }
0x99: {  	s4 =	simm.s32 $_scs_section_size  }
0x9a: {  	s5 =	simm.s32 $_size__tile_overlayer_lowered;
	s6 =	simm.s32 $_tile_overlayer_lowered  }
0x9b: {  	s22 =	simm.s32 $0x1BFF;
	s21 =	sshll.u32 s6, $0x1;
	s3 =	sadd.s32 s4, s19  }
0x9c: {  	s7 =	simm.s32 $0x0;
	s20 =	sshll.u32 s5, $0x1;
	s5 =	sadd.s32 s21, s3  }
0x9d: {  	[timem:s7], [sflag:s22] =	dma.local [hbm:s5], s20  }
0x9e: {  	_ =	swait.ge [sflag:s22], s20  }
0x9f: {  	s4 =	ssub.s32 $0x0, s20;
	[sflag:s22] =	ssyncset.done $0x0  }
0xa0: {  	[sflag:s22] =	ssyncadd.s32 s4;
	_ =	sdelay $0x1  }
0xa1: {  	s23 =	simm.s32 $0x1B8B  }
0xa2: {  	_ =	swait.ge [sflag:s23], $0x1  }
0xa3: {  	[sflag:s23] =	ssyncset.done $0x0  }
0xa4: {  	s25 =	simm.s32 $0x1B8E;
	s24 =	sld [smem:$0x3FFE];
	[sflag:s23] =	ssyncadd.s32 $0xFFFFFFFF  }
0xa5: {  	s26 =	simm.s32 $execute0_lowered;
	[smem:$0x3FD2] =	sst s25  }
0xa6: {  	s5 =	sshll.u32 s26, $0x1;
	_ =	strace $0x80000049;
	[dreg:$0x1] =	wrdreg $0xFFFFFFFF  }
0xa7: {  	s28 =	simm.s32 $_size_execute0_lowered;
	s3 =	sadd.s32 s3, s5;
	[dreg:$0x0] =	wrdreg $0x0  }
0xa8: {  	s5 =	sshll.u32 s28, $0x1;
	[dreg:$0x2] =	wrdreg s3  }
0xa9: {  	[dreg:$0x3] =	wrdreg s5  }
0xaa: {  	[dreg:$0x4] =	wrdreg $0xC0  }
0xab: {  	_ =	task [dreg:s7], $0x5FFFF  }
0xac: {  	[dreg:$0x1] =	wrdreg $0xFFFFFFFF  }
0xad: {  	[dreg:$0x0] =	wrdreg $0x60  }
0xae: {  	[dreg:$0x2] =	wrdreg s24  }
0xaf: {  	[dreg:$0x3] =	wrdreg s2  }
0xb0: {  	[dreg:$0x4] =	wrdreg $0x9  }
0xb1: {  	_ =	task.clear_ibuf [dreg:s7], $0x5FFFF;
	_ =	strace $0x90000049  }
0xb2: {  	s29 =	simm.s32 $0x9;
	_ =	strace $0x8000004B  }
0xb3: {  	_ =	swait.ge [sflag:s29], $0x1  }
0xb4: {  	[sflag:s29] =	ssyncadd.s32 $0xFFFFFFFF  }
0xb5: {  	_ =	strace $0x9000004B  }
0xb6: {  	_ =	sfence  }
0xb7: {  	s30 =	sld [smem:$0x0];
	_ =	sdelay $0x2  }
0xb8: {  	s31 =	sshll.u32 s1, $0xD;
	s1 =	sshrl.u32 s1, $0x2  }
0xb9: {  	s3 =	sand.u32 $0x4000, s31;
	s1 =	sadd.s32 s1, s30  }
0xba: {  	s0 =	sor.u32 s3, s0;
	s1 =	sshll.u32 s1, $0x11  }
0xbb: {  	s0 =	sor.u32 s1, s0  }
0xbc: {  	s0 =	sadd.s32 $0x8F2B, s0  }
0xbd: {  	[sflag:s0] =	ssyncadd.remote.s32 $0x1  }
0xbe: {  	_ =	sfence.sel $0xFFFF  }
0xbf: {  	[dreg:$0x0] =	wrdreg $0xFFFFFFFF;
	(pc) =	sbr.abs _section_cstart, $3  }
0xc0: {  	[dreg:$0x1] =	wrdreg $0xFFFFFFFF  }
0xc1: {  	_ =	task.clear_ibuf [dreg:s7], $0x2FFFF;
	_ =	strace $0x9FFFFFFF  }
0xc2: {  	(tm) =	ssettm $0x7FFFFFFF  }
0xc3: {  	_ =	shalt  }
tec
execute0_lowered:
.L_overlay_start_1:
0x0: {  	(tag) =	ssettag $0x1  }
0x1: {  	s1 =	srdreg.scid  }
0x2: {  	s0 =	stileid.u32;
	s6 =	rddreg [dreg:$0x0]  }
0x3: {  	s4 =	rddreg [dreg:$0x1];
	s18 =	simm.s32 $0x880;
	s19 =	simm.s32 $0x1080  }
0x4: {  	s20 =	simm.s32 $0x1880;
	s22 =	simm.s32 $0x2080;
	s23 =	simm.s32 $0x2880  }
0x5: {  	s7 =	simm.s32 $0x3080;
	s24 =	simm.s32 $0x3880;
	s8 =	simm.s32 $0x4080  }
0x6: {  	s25 =	simm.s32 $0x4880;
	s26 =	simm.s32 $0x5080;
	s1 =	sand.u32 $0x1, s1  }
0x7: {  	s9 =	simm.s32 $0x80;
	s2 =	sshll.u32 s0, $0x7;
	s3 =	sshll.u32 s1, $0x6  }
0x8: {  	s11 =	simm.s32 $0x6080;
	s3 =	sor.u32 s3, s2;
	s2 =	simm.s32 $0x0  }
0x9: {  	s12 =	simm.s32 $0x6880;
	s13 =	simm.s32 $0x7080;
	[smem:$0x7FF] =	sst s2  }
0xa: {  	s14 =	simm.s32 $0x7880;
	_ =	strace $0x8000004A;
	[dreg:$0x5] =	wrdreg s18  }
0xb: {  	s15 =	simm.s32 $0x8080;
	s16 =	simm.s32 $0x8880;
	[dreg:$0x6] =	wrdreg s19  }
0xc: {  	s17 =	simm.s32 $0x9080;
	s28 =	simm.s32 $0xE080;
	[dreg:$0x7] =	wrdreg s20  }
0xd: {  	s29 =	simm.s32 $0xE880;
	s30 =	simm.s32 $0xF080;
	[dreg:$0x8] =	wrdreg s22  }
0xe: {  	s31 =	simm.s32 $0xF880;
	s1 =	ssub.s32 $0x2, s1;
	[dreg:$0x9] =	wrdreg s23  }
0xf: {  	s21 =	sshrl.u32 s1, $0x1;
	s5 =	sshrl.u32 s3, $0x3;
	[dreg:$0xa] =	wrdreg s7  }
0x10: {  	s3 =	sshll.u32 s3, $0x7;
	s1 =	ssub.s32 s1, s21;
	[dreg:$0xb] =	wrdreg s24  }
0x11: {  	s21 =	simm.s32 $0xB080;
	s5 =	sadd.s32 s5, s6;
	[dreg:$0xc] =	wrdreg s8  }
0x12: {  	s3 =	sadd.s32 s4, s3;
	s4 =	sadd.s32 $0x611100, s6;
	[dreg:$0xd] =	wrdreg s25  }
0x13: {  	s7 =	smax.u32 s1, $0x1;
	s8 =	simm.s32 $0x2;
	[dreg:$0xe] =	wrdreg s26  }
0x14: {  	s18 =	simm.s32 $0x9880;
	s19 =	simm.s32 $0xA080;
	s20 =	simm.s32 $0xA880  }
0x15: {  	s22 =	simm.s32 $0xB880;
	s23 =	simm.s32 $0xC080;
	s24 =	simm.s32 $0xC880  }
0x16: {  	v2 =	vlaneseq.u32;
	s25 =	simm.s32 $0xD080;
	s26 =	simm.s32 $0xD880;
	s1 =	simm.s32 $0x1  }
0x17: {  	vm0 =	vmmov $0xffff;
	v1 =	vshrl.u32 v2, $0x3;
	s5 =	sadd.s32 $0x400, s5;
	[dreg:$0x4] =	wrdreg s3;
	s3 =	sadd.s32 $0x611000, s6  }
0x18: {  	v0 =	vand.u32 $0x7, v2;
	v2 =	vor.u32 $0x8, v2;
	v1 =	vmul.u32 $0x8, v1;
	[dreg:$0x3] =	wrdreg s5;
	s5 =	sadd.s32 $0x611200, s6;
	s6 =	sadd.s32 $0x611300, s6  }
.LBB2_1:
0x19: {  	s0 =	rddreg [dreg:$0x3]  }
0x1a: {  	[tilespmem:s2], [sflag:$0x2] =	stream.linear.gather [hbm4b:s0+s2], $0x40, $0x38;
	[tilespmem:$0x10080] =	vst v63  }
0x1b: {  	_ =	swait.ge [sflag:s8], $0x40  }
0x1c: {  	[sflag:s8] =	ssyncset.done $0x0  }
0x1d: {  	[sflag:s8] =	ssyncadd.s32 $0xFFFFFFC0  }
0x1e: {  	v3 =	vld [tilespmem:$0x0];
	_ =	sdelay $0x4  }
0x1f: {  	v4 =	vshll.u32 v3, $0x3  }
0x20: {  	v3 =	vand.u32 $0x7, v3;
	v4 =	vand.u32 $0xFFFFFFC0, v4  }
0x21: {  	v3 =	vor.u32 v3, v4  }
0x22: {  	v4 =	vperm.xlane v3, v0;
	_ =	sdelay $0x1  }
0x23: {  	v4 =	vadd.s32 v1, v4;
	_ =	sdelay $0x4  }
0x24: {  	[tilespmem:s9], [sflag:$0x1] =	stream.indirect_vreg.gather [hbm4b:s3+s2], $0x80, v4, vm0, $0xb8;
	[tilespmem:$0x10080] =	vst v63  }
0x25: {  	s0 =	rddreg [dreg:$0x5];
	v3 =	vperm.xlane v3, v2  }
0x26: {  	[tilespmem:s0], [sflag:$0x1] =	stream.indirect_vreg.gather [hbm4b:s4+s2], $0x80, v4, vm0, $0xb8;
	[tilespmem:$0x10080] =	vst v63  }
0x27: {  	s10 =	rddreg [dreg:$0x6];
	v3 =	vadd.s32 v1, v3  }
0x28: {  	[tilespmem:s10], [sflag:$0x1] =	stream.indirect_vreg.gather [hbm4b:s5+s2], $0x80, v4, vm0, $0xb8;
	[tilespmem:$0x10080] =	vst v63  }
0x29: {  	s0 =	rddreg [dreg:$0x7]  }
0x2a: {  	[tilespmem:s0], [sflag:$0x1] =	stream.indirect_vreg.gather [hbm4b:s6+s2], $0x80, v4, vm0, $0xb8;
	[tilespmem:$0x10080] =	vst v63  }
0x2b: {  	s10 =	rddreg [dreg:$0x8]  }
0x2c: {  	[tilespmem:s10], [sflag:$0x1] =	stream.indirect_vreg.gather [hbm4b:s3+s2], $0x80, v3, vm0, $0xb8;
	[tilespmem:$0x10080] =	vst v63  }
0x2d: {  	s0 =	rddreg [dreg:$0x9]  }
0x2e: {  	[tilespmem:s0], [sflag:$0x1] =	stream.indirect_vreg.gather [hbm4b:s4+s2], $0x80, v3, vm0, $0xb8;
	[tilespmem:$0x10080] =	vst v63  }
0x2f: {  	s10 =	rddreg [dreg:$0xa]  }
0x30: {  	[tilespmem:s10], [sflag:$0x1] =	stream.indirect_vreg.gather [hbm4b:s5+s2], $0x80, v3, vm0, $0xb8;
	[tilespmem:$0x10080] =	vst v63  }
0x31: {  	s0 =	rddreg [dreg:$0xb]  }
0x32: {  	[tilespmem:s0], [sflag:$0x1] =	stream.indirect_vreg.gather [hbm4b:s6+s2], $0x80, v3, vm0, $0xb8;
	[tilespmem:$0x10080] =	vst v63  }
0x33: {  	v3 =	vld [tilespmem:$0x10];
	_ =	sdelay $0x4  }
0x34: {  	v61 =	vshll.u32 v3, $0x3  }
0x35: {  	v3 =	vand.u32 $0x7, v3;
	v4 =	vand.u32 $0xFFFFFFC0, v61  }
0x36: {  	v3 =	vor.u32 v3, v4  }
0x37: {  	v4 =	vperm.xlane v3, v0;
	_ =	sdelay $0x1  }
0x38: {  	v4 =	vadd.s32 v1, v4;
	_ =	sdelay $0x3  }
0x39: {  	s0 =	rddreg [dreg:$0xc]  }
0x3a: {  	[tilespmem:s0], [sflag:$0x1] =	stream.indirect_vreg.gather [hbm4b:s3+s2], $0x80, v4, vm0, $0xb8;
	[tilespmem:$0x10080] =	vst v63  }
0x3b: {  	s10 =	rddreg [dreg:$0xd];
	v3 =	vperm.xlane v3, v2  }
0x3c: {  	[tilespmem:s10], [sflag:$0x1] =	stream.indirect_vreg.gather [hbm4b:s4+s2], $0x80, v4, vm0, $0xb8;
	[tilespmem:$0x10080] =	vst v63  }
0x3d: {  	v3 =	vadd.s32 v1, v3;
	s0 =	rddreg [dreg:$0xe]  }
0x3e: {  	[tilespmem:s0], [sflag:$0x1] =	stream.indirect_vreg.gather [hbm4b:s5+s2], $0x80, v4, vm0, $0xb8;
	[tilespmem:$0x10080] =	vst v63  }
0x3f: {  	s10 =	simm.s32 $0x5880  }
0x40: {  	[tilespmem:s10], [sflag:$0x1] =	stream.indirect_vreg.gather [hbm4b:s6+s2], $0x80, v4, vm0, $0xb8;
	[tilespmem:$0x10080] =	vst v63  }
0x41: {  	_ = 	snop  }
0x42: {  	[tilespmem:s11], [sflag:$0x1] =	stream.indirect_vreg.gather [hbm4b:s3+s2], $0x80, v3, vm0, $0xb8;
	[tilespmem:$0x10080] =	vst v63  }
0x43: {  	_ = 	snop  }
0x44: {  	[tilespmem:s12], [sflag:$0x1] =	stream.indirect_vreg.gather [hbm4b:s4+s2], $0x80, v3, vm0, $0xb8;
	[tilespmem:$0x10080] =	vst v63  }
0x45: {  	_ = 	snop  }
0x46: {  	[tilespmem:s13], [sflag:$0x1] =	stream.indirect_vreg.gather [hbm4b:s5+s2], $0x80, v3, vm0, $0xb8;
	[tilespmem:$0x10080] =	vst v63  }
0x47: {  	_ = 	snop  }
0x48: {  	[tilespmem:s14], [sflag:$0x1] =	stream.indirect_vreg.gather [hbm4b:s6+s2], $0x80, v3, vm0, $0xb8;
	[tilespmem:$0x10080] =	vst v63  }
0x49: {  	v3 =	vld [tilespmem:$0x20];
	_ =	sdelay $0x4  }
0x4a: {  	v62 =	vshll.u32 v3, $0x3  }
0x4b: {  	v3 =	vand.u32 $0x7, v3;
	v4 =	vand.u32 $0xFFFFFFC0, v62  }
0x4c: {  	v3 =	vor.u32 v3, v4  }
0x4d: {  	v4 =	vperm.xlane v3, v0;
	_ =	sdelay $0x1  }
0x4e: {  	v4 =	vadd.s32 v1, v4;
	_ =	sdelay $0x4  }
0x4f: {  	[tilespmem:s15], [sflag:$0x1] =	stream.indirect_vreg.gather [hbm4b:s3+s2], $0x80, v4, vm0, $0xb8;
	[tilespmem:$0x10080] =	vst v63  }
0x50: {  	v3 =	vperm.xlane v3, v2  }
0x51: {  	[tilespmem:s16], [sflag:$0x1] =	stream.indirect_vreg.gather [hbm4b:s4+s2], $0x80, v4, vm0, $0xb8;
	[tilespmem:$0x10080] =	vst v63  }
0x52: {  	v3 =	vadd.s32 v1, v3  }
0x53: {  	[tilespmem:s17], [sflag:$0x1] =	stream.indirect_vreg.gather [hbm4b:s5+s2], $0x80, v4, vm0, $0xb8;
	[tilespmem:$0x10080] =	vst v63  }
0x54: {  	_ = 	snop  }
0x55: {  	[tilespmem:s18], [sflag:$0x1] =	stream.indirect_vreg.gather [hbm4b:s6+s2], $0x80, v4, vm0, $0xb8;
	[tilespmem:$0x10080] =	vst v63  }
0x56: {  	_ = 	snop  }
0x57: {  	[tilespmem:s19], [sflag:$0x1] =	stream.indirect_vreg.gather [hbm4b:s3+s2], $0x80, v3, vm0, $0xb8;
	[tilespmem:$0x10080] =	vst v63  }
0x58: {  	_ = 	snop  }
0x59: {  	[tilespmem:s20], [sflag:$0x1] =	stream.indirect_vreg.gather [hbm4b:s4+s2], $0x80, v3, vm0, $0xb8;
	[tilespmem:$0x10080] =	vst v63  }
0x5a: {  	_ = 	snop  }
0x5b: {  	[tilespmem:s21], [sflag:$0x1] =	stream.indirect_vreg.gather [hbm4b:s5+s2], $0x80, v3, vm0, $0xb8;
	[tilespmem:$0x10080] =	vst v63  }
0x5c: {  	_ = 	snop  }
0x5d: {  	[tilespmem:s22], [sflag:$0x1] =	stream.indirect_vreg.gather [hbm4b:s6+s2], $0x80, v3, vm0, $0xb8;
	[tilespmem:$0x10080] =	vst v63  }
0x5e: {  	v3 =	vld [tilespmem:$0x30];
	_ =	sdelay $0x4  }
0x5f: {  	v63 =	vshll.u32 v3, $0x3  }
0x60: {  	v3 =	vand.u32 $0x7, v3;
	v4 =	vand.u32 $0xFFFFFFC0, v63  }
0x61: {  	v3 =	vor.u32 v3, v4  }
0x62: {  	v4 =	vperm.xlane v3, v0;
	_ =	sdelay $0x1  }
0x63: {  	v4 =	vadd.s32 v1, v4;
	_ =	sdelay $0x4  }
0x64: {  	[tilespmem:s23], [sflag:$0x1] =	stream.indirect_vreg.gather [hbm4b:s3+s2], $0x80, v4, vm0, $0xb8;
	[tilespmem:$0x10080] =	vst v63  }
0x65: {  	v3 =	vperm.xlane v3, v2  }
0x66: {  	[tilespmem:s24], [sflag:$0x1] =	stream.indirect_vreg.gather [hbm4b:s4+s2], $0x80, v4, vm0, $0xb8;
	[tilespmem:$0x10080] =	vst v63  }
0x67: {  	v3 =	vadd.s32 v1, v3  }
0x68: {  	[tilespmem:s25], [sflag:$0x1] =	stream.indirect_vreg.gather [hbm4b:s5+s2], $0x80, v4, vm0, $0xb8;
	[tilespmem:$0x10080] =	vst v63  }
0x69: {  	_ = 	snop  }
0x6a: {  	[tilespmem:s26], [sflag:$0x1] =	stream.indirect_vreg.gather [hbm4b:s6+s2], $0x80, v4, vm0, $0xb8;
	[tilespmem:$0x10080] =	vst v63  }
0x6b: {  	_ = 	snop  }
0x6c: {  	[tilespmem:s28], [sflag:$0x1] =	stream.indirect_vreg.gather [hbm4b:s3+s2], $0x80, v3, vm0, $0xb8;
	[tilespmem:$0x10080] =	vst v63  }
0x6d: {  	_ = 	snop  }
0x6e: {  	[tilespmem:s29], [sflag:$0x1] =	stream.indirect_vreg.gather [hbm4b:s4+s2], $0x80, v3, vm0, $0xb8;
	[tilespmem:$0x10080] =	vst v63  }
0x6f: {  	_ = 	snop  }
0x70: {  	[tilespmem:s30], [sflag:$0x1] =	stream.indirect_vreg.gather [hbm4b:s5+s2], $0x80, v3, vm0, $0xb8;
	[tilespmem:$0x10080] =	vst v63  }
0x71: {  	_ = 	snop  }
0x72: {  	[tilespmem:s31], [sflag:$0x1] =	stream.indirect_vreg.gather [hbm4b:s6+s2], $0x80, v3, vm0, $0xb8;
	[tilespmem:$0x10080] =	vst v63  }
0x73: {  	_ =	swait.ge [sflag:s1], $0x10000  }
0x74: {  	p0 =	sne.s32 s7, $0x1;
	[sflag:s1] =	ssyncset.done $0x0  }
.Ltmp0:
0x75: {  	s10 =	rddreg [dreg:$0x4];
	[sflag:s1] =	ssyncadd.s32 $0xFFFF0000;
	(pc) =	sbr.rel @p0 .LBB2_1-.Ltmp0, $4  }
0x76: {  	[hbm4b:s10+s2] =	stream.linear.scatter [tilespmem:s9], [sflag:$0x2], $0x10000, $0x38;
	[tilespmem:$0x10080] =	vst v63  }
0x77: {  	_ =	swait.ge [sflag:s8], $0x10000  }
0x78: {  	[sflag:s8] =	ssyncset.done $0x0  }
0x79: {  	s7 =	sadd.s32 $0xFFFFFFFF, s7;
	[sflag:s8] =	ssyncadd.s32 $0xFFFF0000  }
0x7a: {  	_ =	sfence.sel $0x180000  }
0x7b: {  	[bflag:$0x0] =	sbarrier.arrive $0xFFFF  }
0x7c: {  	_ =	strace $0x9000004A  }
0x7d: {  	s0 =	stileid.u32;
	[bflag:$0x2] =	sbarrier.arrive $0xFFFF  }
0x7e: {  	p0 =	sne.s32 s0, $0x0;
	s0 =	rddreg [dreg:$0x2]  }
0x7f: {  	s0 =	sadd.s32 @!p0 $0x100000, s0  }
0x80: {  	[sflag:s0] =	ssyncadd.tile.s32 @!p0 $0x1;
	_ =	shalt  }
.Lfunc_end2:
_tile_overlayer_lowered:
.L_overlay_start_2:
0x81: {  	(tag) =	ssettag $0x2  }
0x82: {  	s0 =	rddreg [dreg:$0x0];
	s2 =	stileid.u32  }
0x83: {  	s1 =	rddreg [dreg:$0x1];
	p0 =	sne.s32 s2, $0x0  }
0x84: {  	s3 =	rddreg [dreg:$0x2];
	[bflag:$0x3] =	sbarrier.arrive $0xFFFF;
	s2 =	simm.s32 @!p0 $0x1C02  }
0x85: {  	[timem:s3], [sflag:s2] =	dma.local @!p0 [hbm:s0], s1  }
0x86: {  	s0 =	simm.s32 @!p0 $0x2  }
0x87: {  	_ =	swait.ge @!p0 [sflag:s0], s1  }
0x88: {  	s1 =	ssub.s32 @!p0 $0x0, s1;
	[sflag:s0] =	ssyncset.done @!p0 $0x0  }
0x89: {  	[sflag:s0] =	ssyncadd.s32 @!p0 s1  }
0x8a: {  	[bflag:$0x3] =	sbarrier.arrive $0xFFFF  }
0x8b: {  	_ =	shalt  }

</sc_bundles>
